<compile_context>
chip_gen: v7x
topology: tpu7x:2x2x1
jax: 0.10.2.dev20260603
libtpu: 0.0.44.dev20260713+nightly
codegen_flags: <defaults>
</compile_context>

<pallas_src>
import functools

import jax
import jax.numpy as jnp
from jax import lax
from jax.experimental import pallas as pl
from jax.experimental.pallas import tpu as pltpu
from jax.experimental.pallas import tpu_sc as plsc


def _router_body(C, E, TB, x_ref, wr_ref, br_ref,
                 ds_ref, dg_ref, kept_ref, p_ref, carry_ref):
    b = pl.program_id(0)

    @pl.when(b == 0)
    def _():
        carry_ref[...] = jnp.zeros_like(carry_ref)

    x = x_ref[...]
    wr = wr_ref[...]
    logits = lax.dot_general(x, wr, (((1,), (1,)), ((), ())),
                             preferred_element_type=jnp.float32)
    logits = logits + br_ref[...]
    lmax = jnp.max(logits, axis=1, keepdims=True)
    denom = jnp.sum(jnp.exp(logits - lmax), axis=1, keepdims=True)
    p = 1.0 / denom

    iota_e = lax.broadcasted_iota(jnp.int32, (TB, E), 1)
    is_max = logits == lmax
    route = jnp.min(jnp.where(is_max, iota_e, E), axis=1, keepdims=True)
    onehot = (iota_e == route).astype(jnp.float32)

    r = lax.broadcasted_iota(jnp.int32, (TB, TB), 0)
    c = lax.broadcasted_iota(jnp.int32, (TB, TB), 1)
    tri = (r >= c).astype(jnp.float32)
    pos_incl = lax.dot_general(tri, onehot, (((1,), (0,)), ((), ())),
                               preferred_element_type=jnp.float32)

    tot = pos_incl + carry_ref[...]
    slot1 = jnp.sum(onehot * tot, axis=1, keepdims=True)
    slot0 = slot1.astype(jnp.int32) - 1
    kept = slot0 < C
    dest = route * C + slot0
    ds_ref[...] = jnp.where(kept, dest, E * C)
    dg_ref[...] = jnp.where(kept, dest, 0)
    kept_ref[...] = kept.astype(jnp.float32)
    p_ref[...] = p
    carry_ref[...] = carry_ref[...] + jnp.sum(onehot, axis=0, keepdims=True)


def _router(xf, Wr, br, C, TB=512):
    T, D = xf.shape
    E = Wr.shape[0]
    nb = T // TB
    out = jax.ShapeDtypeStruct
    return pl.pallas_call(
        functools.partial(_router_body, C, E, TB),
        grid=(nb,),
        in_specs=[
            pl.BlockSpec((TB, D), lambda b: (b, 0)),
            pl.BlockSpec((E, D), lambda b: (0, 0)),
            pl.BlockSpec((1, E), lambda b: (0, 0)),
        ],
        out_specs=[
            pl.BlockSpec((TB, 1), lambda b: (b, 0)),
            pl.BlockSpec((TB, 1), lambda b: (b, 0)),
            pl.BlockSpec((TB, 1), lambda b: (b, 0)),
            pl.BlockSpec((TB, 1), lambda b: (b, 0)),
        ],
        out_shape=[
            out((T, 1), jnp.int32),
            out((T, 1), jnp.int32),
            out((T, 1), jnp.float32),
            out((T, 1), jnp.float32),
        ],
        scratch_shapes=[pltpu.VMEM((1, E), jnp.float32)],
    )(xf, Wr, br.reshape(1, E))


def _make_dispatch(T, D, n_rows):
    info = plsc.get_sparse_core_info()
    nw = info.num_cores * info.num_subcores
    per_w = T // nw
    ch = min(per_w, 64)
    nch = per_w // ch
    mesh = plsc.VectorSubcoreMesh(core_axis_name="c", subcore_axis_name="s")

    @functools.partial(
        pl.kernel,
        out_type=jax.ShapeDtypeStruct((n_rows, D), jnp.float32),
        mesh=mesh,
        scratch_types=[
            pltpu.VMEM((ch,), jnp.int32),
            pltpu.VMEM((ch, D), jnp.float32),
            pltpu.SemaphoreType.DMA,
        ],
    )
    def dispatch(xf_hbm, dest_hbm, out_hbm, idx_v, rows_v, sem):
        wid = lax.axis_index("s") * info.num_cores + lax.axis_index("c")
        base = wid * per_w
        for j in range(nch):
            b = base + j * ch
            pltpu.sync_copy(dest_hbm.at[pl.ds(b, ch)], idx_v)
            pltpu.sync_copy(xf_hbm.at[pl.ds(b, ch)], rows_v)
            pltpu.async_copy(rows_v, out_hbm.at[idx_v], sem).wait()

    return dispatch


def _make_combine(T, D):
    info = plsc.get_sparse_core_info()
    nw = info.num_cores * info.num_subcores
    per_w = T // nw
    ch = min(per_w, 64)
    nch = per_w // ch
    mesh = plsc.VectorSubcoreMesh(core_axis_name="c", subcore_axis_name="s")

    @functools.partial(
        pl.kernel,
        out_type=jax.ShapeDtypeStruct((T, D), jnp.float32),
        mesh=mesh,
        scratch_types=[
            pltpu.VMEM((ch,), jnp.int32),
            pltpu.VMEM((ch, D), jnp.float32),
            pltpu.SemaphoreType.DMA,
        ],
    )
    def combine(y_hbm, dest_hbm, out_hbm, idx_v, rows_v, sem):
        wid = lax.axis_index("s") * info.num_cores + lax.axis_index("c")
        base = wid * per_w
        for j in range(nch):
            b = base + j * ch
            pltpu.sync_copy(dest_hbm.at[pl.ds(b, ch)], idx_v)
            pltpu.async_copy(y_hbm.at[idx_v], rows_v, sem).wait()
            pltpu.sync_copy(rows_v, out_hbm.at[pl.ds(b, ch)])

    return combine


def _ffn_body(C, D, FB, x_ref, w1_ref, b1_ref, w2_ref, b2_ref, y_ref):
    f = pl.program_id(1)

    @pl.when(f == 0)
    def _():
        y_ref[...] = jnp.broadcast_to(b2_ref[...][0], (C, D))

    x = x_ref[...]
    w1 = w1_ref[...][0]
    h = lax.dot_general(x, w1, (((1,), (0,)), ((), ())),
                        preferred_element_type=jnp.float32)
    h = jnp.maximum(h + b1_ref[...][0], 0.0)
    w2 = w2_ref[...][0]
    y_ref[...] += lax.dot_general(h, w2, (((1,), (0,)), ((), ())),
                                  preferred_element_type=jnp.float32)


def _ffn(ein, W1, b1, W2, b2, C, FB=512):
    E, D, F = W1.shape
    nf = F // FB
    return pl.pallas_call(
        functools.partial(_ffn_body, C, D, FB),
        grid=(E, nf),
        in_specs=[
            pl.BlockSpec((C, D), lambda e, f: (e, 0)),
            pl.BlockSpec((1, D, FB), lambda e, f: (e, 0, f)),
            pl.BlockSpec((1, 1, FB), lambda e, f: (e, 0, f)),
            pl.BlockSpec((1, FB, D), lambda e, f: (e, f, 0)),
            pl.BlockSpec((1, 1, D), lambda e, f: (e, 0, 0)),
        ],
        out_specs=pl.BlockSpec((C, D), lambda e, f: (e, 0)),
        out_shape=jax.ShapeDtypeStruct((E * C, D), jnp.float32),
        compiler_params=pltpu.CompilerParams(
            vmem_limit_bytes=100 * 1024 * 1024),
    )(ein, W1, b1.reshape(E, 1, F), W2, b2.reshape(E, 1, D))


def _blend_body(g_ref, x_ref, kept_ref, p_ref, o_ref):
    o_ref[...] = jnp.where(kept_ref[...] > 0.0, g_ref[...], x_ref[...]) \
        * p_ref[...]


def _blend(g, xf, kept, p, TB=512):
    T, D = xf.shape
    nb = T // TB
    return pl.pallas_call(
        _blend_body,
        grid=(nb,),
        in_specs=[
            pl.BlockSpec((TB, D), lambda b: (b, 0)),
            pl.BlockSpec((TB, D), lambda b: (b, 0)),
            pl.BlockSpec((TB, 1), lambda b: (b, 0)),
            pl.BlockSpec((TB, 1), lambda b: (b, 0)),
        ],
        out_specs=pl.BlockSpec((TB, D), lambda b: (b, 0)),
        out_shape=jax.ShapeDtypeStruct((T, D), jnp.float32),
    )(g, xf, kept, p)


def kernel(x, Wr, br, W1, b1, W2, b2):
    seq, bsz, D = x.shape
    T = seq * bsz
    E = Wr.shape[0]
    C = int(1.25 * T / E)
    xf = x.reshape(T, D)

    dest_s, dest_g, kept, p = _router(xf, Wr, br, C)
    dest_s = dest_s.reshape(T)
    dest_g = dest_g.reshape(T)

    ein = _make_dispatch(T, D, E * C + 8)(xf, dest_s)
    y = _ffn(ein, W1, b1, W2, b2, C)
    g = _make_combine(T, D)(y, dest_g)
    out = _blend(g, xf, kept, p)
    return out.reshape(seq, bsz, D)

# --- scband reference (transcript-rebuilt; emitter-appended) ---
"""Pipeline reference for scband-switch-fnn-30520037606033 (READ-ONLY COPY).

The authoritative reference and input builder live on the scoring server;
editing this copy changes nothing except your own understanding.
"""

import jax, jax.numpy as jnp
import numpy as np

SEQ = 2048
BSZ = 2
D_MODEL = 1024
D_FF = 2048
N_EXPERTS = 8
CAPACITY_FACTOR = 1.25


def setup_inputs(seed: int = 0) -> dict:
    key = jax.random.key(seed)
    ks = jax.random.split(key, 7)
    x = jax.random.normal(ks[0], (SEQ, BSZ, D_MODEL), dtype=jnp.float32)
    # router (nn.Linear(d_model, n_experts)) weights, sliced view is full here
    Wr = jax.random.normal(ks[1], (N_EXPERTS, D_MODEL), dtype=jnp.float32) * 0.02
    br = jnp.zeros((N_EXPERTS,), dtype=jnp.float32)
    # per-expert FFN weights (LinearSuper full-size sample config)
    W1 = jax.random.normal(ks[2], (N_EXPERTS, D_MODEL, D_FF), dtype=jnp.float32) * (1.0 / np.sqrt(D_MODEL))
    b1 = jnp.zeros((N_EXPERTS, D_FF), dtype=jnp.float32)
    W2 = jax.random.normal(ks[3], (N_EXPERTS, D_FF, D_MODEL), dtype=jnp.float32) * (1.0 / np.sqrt(D_FF))
    b2 = jnp.zeros((N_EXPERTS, D_MODEL), dtype=jnp.float32)
    return {"x": x, "Wr": Wr, "br": br, "W1": W1, "b1": b1, "W2": W2, "b2": b2}


def reference(x, Wr, br, W1, b1, W2, b2):
    seq_len, batch_size, d_model = x.shape
    T = seq_len * batch_size
    xf = x.reshape(T, d_model)
    # router_forward: F.linear with sampled router weights (full slice)
    router_logits = xf @ Wr.T + br
    route_prob = jax.nn.softmax(router_logits, axis=-1)
    route_prob_max = jnp.max(route_prob, axis=-1)
    routes = jnp.argmax(route_prob, axis=-1)
    # capacity of each expert
    capacity = int(CAPACITY_FACTOR * T / N_EXPERTS)
    # top-1 dispatch with capacity; tokens beyond capacity are dropped (position priority)
    onehot = jax.nn.one_hot(routes, N_EXPERTS, dtype=jnp.float32)  # [T, E]
    pos = jnp.cumsum(onehot, axis=0) * onehot  # 1-based slot within expert, 0 if not routed
    pos_idx = (pos - 1.0).astype(jnp.int32)  # -1 for not-routed -> one_hot gives zeros; >=capacity also zeros
    dispatch = jax.nn.one_hot(pos_idx, capacity, dtype=jnp.float32)  # [T, E, C]
    # gather tokens into per-expert buffers
    expert_in = jnp.einsum('tec,td->ecd', dispatch, xf)  # [E, C, D]
    # per-expert FFN: linear1 -> relu -> linear2
    h = jnp.einsum('ecd,edf->ecf', expert_in, W1) + b1[:, None, :]
    h = jax.nn.relu(h)
    y = jnp.einsum('ecf,efd->ecd', h, W2) + b2[:, None, :]
    # scatter expert outputs back to token order
    combined = jnp.einsum('tec,ecd->td', dispatch, y)  # [T, D]
    routed_mask = jnp.sum(dispatch, axis=(1, 2))  # [T], 1.0 if token was processed
    # dropped tokens pass through unchanged: final_output[dropped] = x[dropped]
    final = combined + (1.0 - routed_mask)[:, None] * xf
    # is_scale_prob=True: scale by routing probability
    final = final * route_prob_max[:, None]
    return final.reshape(seq_len, batch_size, d_model)

if __name__ == "__main__":
    import jax
    _d = setup_inputs()
    print(jax.jit(kernel)(*tuple(_d.values())))

</pallas_src>

<mosaic_0001>
#map = affine_map<(d0, d1) -> (0, 0)>
#map1 = affine_map<(d0, d1) -> (0)>
module attributes {stable_mosaic.version = 14 : i64} {
  func.func @combine(%arg0: i32, %arg1: i32, %arg2: memref<5120x1024xf32, #tpu.memory_space<hbm>>, %arg3: memref<4096xi32, #tpu.memory_space<hbm>>, %arg4: memref<4096x1024xf32, #tpu.memory_space<hbm>>, %arg5: memref<64xi32, #tpu.memory_space<vmem>>, %arg6: memref<64x1024xf32, #tpu.memory_space<vmem>>, %arg7: memref<!tpu.dma_semaphore, #tpu.memory_space<semaphore_mem>>) attributes {dimension_semantics = [#tpu.dimension_semantics<core_parallel>, #tpu.dimension_semantics<subcore_parallel>], iteration_bounds = array<i64: 2, 16>, scalar_prefetch = 0 : i64, scratch_operands = 3 : i64, tpu.core_type = #tpu.core_type<sc_vector_subcore>, window_params = [{transform_indices = #map}, {transform_indices = #map1}, {transform_indices = #map}]} {
    %mul3A = arith.constant 2 : i32
    %mul3A_0 = arith.muli %arg1, %mul3A : i32
    %add3A = arith.addi %mul3A_0, %arg0 : i32
    %mul3A_1 = arith.constant 128 : i32
    %mul3A_2 = arith.muli %add3A, %mul3A_1 : i32
    %add3A_3 = arith.constant 0 : i32
    %add3A_4 = arith.addi %mul3A_2, %add3A_3 : i32
    "tpu.region"() ({
      %run_scoped3A = tpu.sem_alloc : memref<!tpu.dma_semaphore, #tpu.memory_space<semaphore_mem>>
      %dma_start3A_17 = tpu.memref_slice %arg3[%add3A_4] : memref<4096xi32, #tpu.memory_space<hbm>> -> memref<64xi32, #tpu.memory_space<hbm>>
      %dma_start3A_18 = tpu.memref_slice %arg3[%add3A_4] : memref<4096xi32, #tpu.memory_space<hbm>> -> memref<64xi32, #tpu.memory_space<hbm>>
      tpu.enqueue_dma source(%dma_start3A_18 : memref<64xi32, #tpu.memory_space<hbm>>) target(%arg5 : memref<64xi32, #tpu.memory_space<vmem>>) target_semaphore(%run_scoped3A : memref<!tpu.dma_semaphore, #tpu.memory_space<semaphore_mem>>)
      %dma_wait3A_19 = tpu.memref_slice %arg3[%add3A_4] : memref<4096xi32, #tpu.memory_space<hbm>> -> memref<64xi32, #tpu.memory_space<hbm>>
      %dma_wait3A_20 = tpu.memref_slice %arg3[%add3A_4] : memref<4096xi32, #tpu.memory_space<hbm>> -> memref<64xi32, #tpu.memory_space<hbm>>
      tpu.wait_dma2 semaphore(%run_scoped3A : memref<!tpu.dma_semaphore, #tpu.memory_space<semaphore_mem>>) src(%dma_wait3A_20 : memref<64xi32, #tpu.memory_space<hbm>>) dst(%arg5 : memref<64xi32, #tpu.memory_space<vmem>>)
      tpu.yield
    }) : () -> ()
    %dma_start3A = arith.constant 0 : i32
    %dma_start3A_5 = arith.constant 0 : i32
    %dma_start3A_6 = tpu.memref_slice %arg2[%dma_start3A, %dma_start3A_5] : memref<5120x1024xf32, #tpu.memory_space<hbm>> -> memref<5120x1024xf32, #tpu.memory_space<hbm>>
    tpu.enqueue_indirect_dma source(%dma_start3A_6 : memref<5120x1024xf32, #tpu.memory_space<hbm>>) target(%arg6 : memref<64x1024xf32, #tpu.memory_space<vmem>>) offsets(%arg5 : memref<64xi32, #tpu.memory_space<vmem>>) semaphore(%arg7 : memref<!tpu.dma_semaphore, #tpu.memory_space<semaphore_mem>>)
    %dma_wait3A = arith.constant 0 : i32
    %dma_wait3A_7 = arith.constant 0 : i32
    %dma_wait3A_8 = tpu.memref_slice %arg2[%dma_wait3A, %dma_wait3A_7] : memref<5120x1024xf32, #tpu.memory_space<hbm>> -> memref<5120x1024xf32, #tpu.memory_space<hbm>>
    tpu.wait_indirect_dma semaphore(%arg7 : memref<!tpu.dma_semaphore, #tpu.memory_space<semaphore_mem>>) src(%dma_wait3A_8 : memref<5120x1024xf32, #tpu.memory_space<hbm>>) dst(%arg6 : memref<64x1024xf32, #tpu.memory_space<vmem>>)
    "tpu.region"() ({
      %run_scoped3A = tpu.sem_alloc : memref<!tpu.dma_semaphore, #tpu.memory_space<semaphore_mem>>
      %dma_start3A_17 = arith.constant 0 : i32
      %dma_start3A_18 = tpu.memref_slice %arg4[%add3A_4, %dma_start3A_17] : memref<4096x1024xf32, #tpu.memory_space<hbm>> -> memref<64x1024xf32, #tpu.memory_space<hbm>>
      %dma_start3A_19 = arith.constant 0 : i32
      %dma_start3A_20 = tpu.memref_slice %arg4[%add3A_4, %dma_start3A_19] : memref<4096x1024xf32, #tpu.memory_space<hbm>> -> memref<64x1024xf32, #tpu.memory_space<hbm>>
      tpu.enqueue_dma source(%arg6 : memref<64x1024xf32, #tpu.memory_space<vmem>>) target(%dma_start3A_20 : memref<64x1024xf32, #tpu.memory_space<hbm>>) target_semaphore(%run_scoped3A : memref<!tpu.dma_semaphore, #tpu.memory_space<semaphore_mem>>)
      %dma_wait3A_21 = arith.constant 0 : i32
      %dma_wait3A_22 = tpu.memref_slice %arg4[%add3A_4, %dma_wait3A_21] : memref<4096x1024xf32, #tpu.memory_space<hbm>> -> memref<64x1024xf32, #tpu.memory_space<hbm>>
      %dma_wait3A_23 = arith.constant 0 : i32
      %dma_wait3A_24 = tpu.memref_slice %arg4[%add3A_4, %dma_wait3A_23] : memref<4096x1024xf32, #tpu.memory_space<hbm>> -> memref<64x1024xf32, #tpu.memory_space<hbm>>
      tpu.wait_dma2 semaphore(%run_scoped3A : memref<!tpu.dma_semaphore, #tpu.memory_space<semaphore_mem>>) src(%arg6 : memref<64x1024xf32, #tpu.memory_space<vmem>>) dst(%dma_wait3A_24 : memref<64x1024xf32, #tpu.memory_space<hbm>>)
      tpu.yield
    }) : () -> ()
    %add3A_9 = arith.constant 64 : i32
    %add3A_10 = arith.addi %mul3A_2, %add3A_9 : i32
    "tpu.region"() ({
      %run_scoped3A = tpu.sem_alloc : memref<!tpu.dma_semaphore, #tpu.memory_space<semaphore_mem>>
      %dma_start3A_17 = tpu.memref_slice %arg3[%add3A_10] : memref<4096xi32, #tpu.memory_space<hbm>> -> memref<64xi32, #tpu.memory_space<hbm>>
      %dma_start3A_18 = tpu.memref_slice %arg3[%add3A_10] : memref<4096xi32, #tpu.memory_space<hbm>> -> memref<64xi32, #tpu.memory_space<hbm>>
      tpu.enqueue_dma source(%dma_start3A_18 : memref<64xi32, #tpu.memory_space<hbm>>) target(%arg5 : memref<64xi32, #tpu.memory_space<vmem>>) target_semaphore(%run_scoped3A : memref<!tpu.dma_semaphore, #tpu.memory_space<semaphore_mem>>)
      %dma_wait3A_19 = tpu.memref_slice %arg3[%add3A_10] : memref<4096xi32, #tpu.memory_space<hbm>> -> memref<64xi32, #tpu.memory_space<hbm>>
      %dma_wait3A_20 = tpu.memref_slice %arg3[%add3A_10] : memref<4096xi32, #tpu.memory_space<hbm>> -> memref<64xi32, #tpu.memory_space<hbm>>
      tpu.wait_dma2 semaphore(%run_scoped3A : memref<!tpu.dma_semaphore, #tpu.memory_space<semaphore_mem>>) src(%dma_wait3A_20 : memref<64xi32, #tpu.memory_space<hbm>>) dst(%arg5 : memref<64xi32, #tpu.memory_space<vmem>>)
      tpu.yield
    }) : () -> ()
    %dma_start3A_11 = arith.constant 0 : i32
    %dma_start3A_12 = arith.constant 0 : i32
    %dma_start3A_13 = tpu.memref_slice %arg2[%dma_start3A_11, %dma_start3A_12] : memref<5120x1024xf32, #tpu.memory_space<hbm>> -> memref<5120x1024xf32, #tpu.memory_space<hbm>>
    tpu.enqueue_indirect_dma source(%dma_start3A_13 : memref<5120x1024xf32, #tpu.memory_space<hbm>>) target(%arg6 : memref<64x1024xf32, #tpu.memory_space<vmem>>) offsets(%arg5 : memref<64xi32, #tpu.memory_space<vmem>>) semaphore(%arg7 : memref<!tpu.dma_semaphore, #tpu.memory_space<semaphore_mem>>)
    %dma_wait3A_14 = arith.constant 0 : i32
    %dma_wait3A_15 = arith.constant 0 : i32
    %dma_wait3A_16 = tpu.memref_slice %arg2[%dma_wait3A_14, %dma_wait3A_15] : memref<5120x1024xf32, #tpu.memory_space<hbm>> -> memref<5120x1024xf32, #tpu.memory_space<hbm>>
    tpu.wait_indirect_dma semaphore(%arg7 : memref<!tpu.dma_semaphore, #tpu.memory_space<semaphore_mem>>) src(%dma_wait3A_16 : memref<5120x1024xf32, #tpu.memory_space<hbm>>) dst(%arg6 : memref<64x1024xf32, #tpu.memory_space<vmem>>)
    "tpu.region"() ({
      %run_scoped3A = tpu.sem_alloc : memref<!tpu.dma_semaphore, #tpu.memory_space<semaphore_mem>>
      %dma_start3A_17 = arith.constant 0 : i32
      %dma_start3A_18 = tpu.memref_slice %arg4[%add3A_10, %dma_start3A_17] : memref<4096x1024xf32, #tpu.memory_space<hbm>> -> memref<64x1024xf32, #tpu.memory_space<hbm>>
      %dma_start3A_19 = arith.constant 0 : i32
      %dma_start3A_20 = tpu.memref_slice %arg4[%add3A_10, %dma_start3A_19] : memref<4096x1024xf32, #tpu.memory_space<hbm>> -> memref<64x1024xf32, #tpu.memory_space<hbm>>
      tpu.enqueue_dma source(%arg6 : memref<64x1024xf32, #tpu.memory_space<vmem>>) target(%dma_start3A_20 : memref<64x1024xf32, #tpu.memory_space<hbm>>) target_semaphore(%run_scoped3A : memref<!tpu.dma_semaphore, #tpu.memory_space<semaphore_mem>>)
      %dma_wait3A_21 = arith.constant 0 : i32
      %dma_wait3A_22 = tpu.memref_slice %arg4[%add3A_10, %dma_wait3A_21] : memref<4096x1024xf32, #tpu.memory_space<hbm>> -> memref<64x1024xf32, #tpu.memory_space<hbm>>
      %dma_wait3A_23 = arith.constant 0 : i32
      %dma_wait3A_24 = tpu.memref_slice %arg4[%add3A_10, %dma_wait3A_23] : memref<4096x1024xf32, #tpu.memory_space<hbm>> -> memref<64x1024xf32, #tpu.memory_space<hbm>>
      tpu.wait_dma2 semaphore(%run_scoped3A : memref<!tpu.dma_semaphore, #tpu.memory_space<semaphore_mem>>) src(%arg6 : memref<64x1024xf32, #tpu.memory_space<vmem>>) dst(%dma_wait3A_24 : memref<64x1024xf32, #tpu.memory_space<hbm>>)
      tpu.yield
    }) : () -> ()
    return
  }
}

#map = affine_map<(d0, d1) -> (0, 0)>
#map1 = affine_map<(d0, d1) -> (0)>
module attributes {stable_mosaic.version = 14 : i64} {
  func.func @dispatch(%arg0: i32, %arg1: i32, %arg2: memref<4096x1024xf32, #tpu.memory_space<hbm>>, %arg3: memref<4096xi32, #tpu.memory_space<hbm>>, %arg4: memref<5128x1024xf32, #tpu.memory_space<hbm>>, %arg5: memref<64xi32, #tpu.memory_space<vmem>>, %arg6: memref<64x1024xf32, #tpu.memory_space<vmem>>, %arg7: memref<!tpu.dma_semaphore, #tpu.memory_space<semaphore_mem>>) attributes {dimension_semantics = [#tpu.dimension_semantics<core_parallel>, #tpu.dimension_semantics<subcore_parallel>], iteration_bounds = array<i64: 2, 16>, scalar_prefetch = 0 : i64, scratch_operands = 3 : i64, tpu.core_type = #tpu.core_type<sc_vector_subcore>, window_params = [{transform_indices = #map}, {transform_indices = #map1}, {transform_indices = #map}]} {
    %mul3A = arith.constant 2 : i32
    %mul3A_0 = arith.muli %arg1, %mul3A : i32
    %add3A = arith.addi %mul3A_0, %arg0 : i32
    %mul3A_1 = arith.constant 128 : i32
    %mul3A_2 = arith.muli %add3A, %mul3A_1 : i32
    %add3A_3 = arith.constant 0 : i32
    %add3A_4 = arith.addi %mul3A_2, %add3A_3 : i32
    "tpu.region"() ({
      %run_scoped3A = tpu.sem_alloc : memref<!tpu.dma_semaphore, #tpu.memory_space<semaphore_mem>>
      %dma_start3A_17 = tpu.memref_slice %arg3[%add3A_4] : memref<4096xi32, #tpu.memory_space<hbm>> -> memref<64xi32, #tpu.memory_space<hbm>>
      %dma_start3A_18 = tpu.memref_slice %arg3[%add3A_4] : memref<4096xi32, #tpu.memory_space<hbm>> -> memref<64xi32, #tpu.memory_space<hbm>>
      tpu.enqueue_dma source(%dma_start3A_18 : memref<64xi32, #tpu.memory_space<hbm>>) target(%arg5 : memref<64xi32, #tpu.memory_space<vmem>>) target_semaphore(%run_scoped3A : memref<!tpu.dma_semaphore, #tpu.memory_space<semaphore_mem>>)
      %dma_wait3A_19 = tpu.memref_slice %arg3[%add3A_4] : memref<4096xi32, #tpu.memory_space<hbm>> -> memref<64xi32, #tpu.memory_space<hbm>>
      %dma_wait3A_20 = tpu.memref_slice %arg3[%add3A_4] : memref<4096xi32, #tpu.memory_space<hbm>> -> memref<64xi32, #tpu.memory_space<hbm>>
      tpu.wait_dma2 semaphore(%run_scoped3A : memref<!tpu.dma_semaphore, #tpu.memory_space<semaphore_mem>>) src(%dma_wait3A_20 : memref<64xi32, #tpu.memory_space<hbm>>) dst(%arg5 : memref<64xi32, #tpu.memory_space<vmem>>)
      tpu.yield
    }) : () -> ()
    "tpu.region"() ({
      %run_scoped3A = tpu.sem_alloc : memref<!tpu.dma_semaphore, #tpu.memory_space<semaphore_mem>>
      %dma_start3A_17 = arith.constant 0 : i32
      %dma_start3A_18 = tpu.memref_slice %arg2[%add3A_4, %dma_start3A_17] : memref<4096x1024xf32, #tpu.memory_space<hbm>> -> memref<64x1024xf32, #tpu.memory_space<hbm>>
      %dma_start3A_19 = arith.constant 0 : i32
      %dma_start3A_20 = tpu.memref_slice %arg2[%add3A_4, %dma_start3A_19] : memref<4096x1024xf32, #tpu.memory_space<hbm>> -> memref<64x1024xf32, #tpu.memory_space<hbm>>
      tpu.enqueue_dma source(%dma_start3A_20 : memref<64x1024xf32, #tpu.memory_space<hbm>>) target(%arg6 : memref<64x1024xf32, #tpu.memory_space<vmem>>) target_semaphore(%run_scoped3A : memref<!tpu.dma_semaphore, #tpu.memory_space<semaphore_mem>>)
      %dma_wait3A_21 = arith.constant 0 : i32
      %dma_wait3A_22 = tpu.memref_slice %arg2[%add3A_4, %dma_wait3A_21] : memref<4096x1024xf32, #tpu.memory_space<hbm>> -> memref<64x1024xf32, #tpu.memory_space<hbm>>
      %dma_wait3A_23 = arith.constant 0 : i32
      %dma_wait3A_24 = tpu.memref_slice %arg2[%add3A_4, %dma_wait3A_23] : memref<4096x1024xf32, #tpu.memory_space<hbm>> -> memref<64x1024xf32, #tpu.memory_space<hbm>>
      tpu.wait_dma2 semaphore(%run_scoped3A : memref<!tpu.dma_semaphore, #tpu.memory_space<semaphore_mem>>) src(%dma_wait3A_24 : memref<64x1024xf32, #tpu.memory_space<hbm>>) dst(%arg6 : memref<64x1024xf32, #tpu.memory_space<vmem>>)
      tpu.yield
    }) : () -> ()
    %dma_start3A = arith.constant 0 : i32
    %dma_start3A_5 = arith.constant 0 : i32
    %dma_start3A_6 = tpu.memref_slice %arg4[%dma_start3A, %dma_start3A_5] : memref<5128x1024xf32, #tpu.memory_space<hbm>> -> memref<5128x1024xf32, #tpu.memory_space<hbm>>
    tpu.enqueue_indirect_dma source(%arg6 : memref<64x1024xf32, #tpu.memory_space<vmem>>) target(%dma_start3A_6 : memref<5128x1024xf32, #tpu.memory_space<hbm>>) offsets(%arg5 : memref<64xi32, #tpu.memory_space<vmem>>) semaphore(%arg7 : memref<!tpu.dma_semaphore, #tpu.memory_space<semaphore_mem>>)
    %dma_wait3A = arith.constant 0 : i32
    %dma_wait3A_7 = arith.constant 0 : i32
    %dma_wait3A_8 = tpu.memref_slice %arg4[%dma_wait3A, %dma_wait3A_7] : memref<5128x1024xf32, #tpu.memory_space<hbm>> -> memref<5128x1024xf32, #tpu.memory_space<hbm>>
    tpu.wait_indirect_dma semaphore(%arg7 : memref<!tpu.dma_semaphore, #tpu.memory_space<semaphore_mem>>) src(%arg6 : memref<64x1024xf32, #tpu.memory_space<vmem>>) dst(%dma_wait3A_8 : memref<5128x1024xf32, #tpu.memory_space<hbm>>)
    %add3A_9 = arith.constant 64 : i32
    %add3A_10 = arith.addi %mul3A_2, %add3A_9 : i32
    "tpu.region"() ({
      %run_scoped3A = tpu.sem_alloc : memref<!tpu.dma_semaphore, #tpu.memory_space<semaphore_mem>>
      %dma_start3A_17 = tpu.memref_slice %arg3[%add3A_10] : memref<4096xi32, #tpu.memory_space<hbm>> -> memref<64xi32, #tpu.memory_space<hbm>>
      %dma_start3A_18 = tpu.memref_slice %arg3[%add3A_10] : memref<4096xi32, #tpu.memory_space<hbm>> -> memref<64xi32, #tpu.memory_space<hbm>>
      tpu.enqueue_dma source(%dma_start3A_18 : memref<64xi32, #tpu.memory_space<hbm>>) target(%arg5 : memref<64xi32, #tpu.memory_space<vmem>>) target_semaphore(%run_scoped3A : memref<!tpu.dma_semaphore, #tpu.memory_space<semaphore_mem>>)
      %dma_wait3A_19 = tpu.memref_slice %arg3[%add3A_10] : memref<4096xi32, #tpu.memory_space<hbm>> -> memref<64xi32, #tpu.memory_space<hbm>>
      %dma_wait3A_20 = tpu.memref_slice %arg3[%add3A_10] : memref<4096xi32, #tpu.memory_space<hbm>> -> memref<64xi32, #tpu.memory_space<hbm>>
      tpu.wait_dma2 semaphore(%run_scoped3A : memref<!tpu.dma_semaphore, #tpu.memory_space<semaphore_mem>>) src(%dma_wait3A_20 : memref<64xi32, #tpu.memory_space<hbm>>) dst(%arg5 : memref<64xi32, #tpu.memory_space<vmem>>)
      tpu.yield
    }) : () -> ()
    "tpu.region"() ({
      %run_scoped3A = tpu.sem_alloc : memref<!tpu.dma_semaphore, #tpu.memory_space<semaphore_mem>>
      %dma_start3A_17 = arith.constant 0 : i32
      %dma_start3A_18 = tpu.memref_slice %arg2[%add3A_10, %dma_start3A_17] : memref<4096x1024xf32, #tpu.memory_space<hbm>> -> memref<64x1024xf32, #tpu.memory_space<hbm>>
      %dma_start3A_19 = arith.constant 0 : i32
      %dma_start3A_20 = tpu.memref_slice %arg2[%add3A_10, %dma_start3A_19] : memref<4096x1024xf32, #tpu.memory_space<hbm>> -> memref<64x1024xf32, #tpu.memory_space<hbm>>
      tpu.enqueue_dma source(%dma_start3A_20 : memref<64x1024xf32, #tpu.memory_space<hbm>>) target(%arg6 : memref<64x1024xf32, #tpu.memory_space<vmem>>) target_semaphore(%run_scoped3A : memref<!tpu.dma_semaphore, #tpu.memory_space<semaphore_mem>>)
      %dma_wait3A_21 = arith.constant 0 : i32
      %dma_wait3A_22 = tpu.memref_slice %arg2[%add3A_10, %dma_wait3A_21] : memref<4096x1024xf32, #tpu.memory_space<hbm>> -> memref<64x1024xf32, #tpu.memory_space<hbm>>
      %dma_wait3A_23 = arith.constant 0 : i32
      %dma_wait3A_24 = tpu.memref_slice %arg2[%add3A_10, %dma_wait3A_23] : memref<4096x1024xf32, #tpu.memory_space<hbm>> -> memref<64x1024xf32, #tpu.memory_space<hbm>>
      tpu.wait_dma2 semaphore(%run_scoped3A : memref<!tpu.dma_semaphore, #tpu.memory_space<semaphore_mem>>) src(%dma_wait3A_24 : memref<64x1024xf32, #tpu.memory_space<hbm>>) dst(%arg6 : memref<64x1024xf32, #tpu.memory_space<vmem>>)
      tpu.yield
    }) : () -> ()
    %dma_start3A_11 = arith.constant 0 : i32
    %dma_start3A_12 = arith.constant 0 : i32
    %dma_start3A_13 = tpu.memref_slice %arg4[%dma_start3A_11, %dma_start3A_12] : memref<5128x1024xf32, #tpu.memory_space<hbm>> -> memref<5128x1024xf32, #tpu.memory_space<hbm>>
    tpu.enqueue_indirect_dma source(%arg6 : memref<64x1024xf32, #tpu.memory_space<vmem>>) target(%dma_start3A_13 : memref<5128x1024xf32, #tpu.memory_space<hbm>>) offsets(%arg5 : memref<64xi32, #tpu.memory_space<vmem>>) semaphore(%arg7 : memref<!tpu.dma_semaphore, #tpu.memory_space<semaphore_mem>>)
    %dma_wait3A_14 = arith.constant 0 : i32
    %dma_wait3A_15 = arith.constant 0 : i32
    %dma_wait3A_16 = tpu.memref_slice %arg4[%dma_wait3A_14, %dma_wait3A_15] : memref<5128x1024xf32, #tpu.memory_space<hbm>> -> memref<5128x1024xf32, #tpu.memory_space<hbm>>
    tpu.wait_indirect_dma semaphore(%arg7 : memref<!tpu.dma_semaphore, #tpu.memory_space<semaphore_mem>>) src(%arg6 : memref<64x1024xf32, #tpu.memory_space<vmem>>) dst(%dma_wait3A_16 : memref<5128x1024xf32, #tpu.memory_space<hbm>>)
    return
  }
}

module attributes {stable_mosaic.version = 14 : i64} {
  func.func @_router_body(%arg0: i32, %arg1: memref<512x1024xf32, #tpu.memory_space<vmem>>, %arg2: memref<8x1024xf32, #tpu.memory_space<vmem>>, %arg3: memref<1x8xf32, #tpu.memory_space<vmem>>, %arg4: memref<512x1xi32, #tpu.memory_space<vmem>>, %arg5: memref<512x1xi32, #tpu.memory_space<vmem>>, %arg6: memref<512x1xf32, #tpu.memory_space<vmem>>, %arg7: memref<512x1xf32, #tpu.memory_space<vmem>>, %arg8: memref<1x8xf32, #tpu.memory_space<vmem>>) attributes {dimension_semantics = [#tpu.dimension_semantics<arbitrary>], iteration_bounds = array<i64: 8>, scalar_prefetch = 0 : i64, scratch_operands = 1 : i64, tpu.core_type = #tpu.core_type<tc>, window_params = [{transform_indices = @transform_0, window_bounds = array<i64: 512, 1024>}, {pipeline_mode = #tpu.pipeline_mode<synchronous>, transform_indices = @transform_1, window_bounds = array<i64: 8, 1024>}, {pipeline_mode = #tpu.pipeline_mode<synchronous>, transform_indices = @transform_2, window_bounds = array<i64: 1, 8>}, {transform_indices = @transform_3, window_bounds = array<i64: 512, 1>}, {transform_indices = @transform_4, window_bounds = array<i64: 512, 1>}, {transform_indices = @transform_5, window_bounds = array<i64: 512, 1>}, {transform_indices = @transform_6, window_bounds = array<i64: 512, 1>}]} {
    %eq3A = arith.constant 0 : i32
    %eq3A_0 = arith.cmpi eq, %arg0, %eq3A : i32
    %convert_element_type3A = arith.extui %eq3A_0 : i1 to i32
    %cond3A = arith.constant 0 : i32
    %cond3A_1 = arith.cmpi ne, %convert_element_type3A, %cond3A : i32
    scf.if %cond3A_1 {
      %broadcast_in_dim3A_80 = arith.constant 0.000000e+00 : f32
      %broadcast_in_dim3A_81 = vector.broadcast %broadcast_in_dim3A_80 : f32 to vector<1x8xf32>
      %swap3A_82 = arith.constant 0 : index
      %swap3A_83 = arith.constant 0 : index
      %swap3A_84 = vector.load %arg8[%swap3A_82, %swap3A_83] : memref<1x8xf32, #tpu.memory_space<vmem>>, vector<1x8xf32>
      tpu.vector_store %arg8[%swap3A_82, %swap3A_83], %broadcast_in_dim3A_81 {strides = array<i32>} : memref<1x8xf32, #tpu.memory_space<vmem>>, vector<1x8xf32>,
    } else {
    }
    %get3A = arith.constant 0 : index
    %get3A_2 = arith.constant 0 : index
    %get3A_3 = vector.load %arg1[%get3A, %get3A_2] : memref<512x1024xf32, #tpu.memory_space<vmem>>, vector<512x1024xf32>
    %get3A_4 = arith.constant 0 : index
    %get3A_5 = arith.constant 0 : index
    %get3A_6 = vector.load %arg2[%get3A_4, %get3A_5] : memref<8x1024xf32, #tpu.memory_space<vmem>>, vector<8x1024xf32>
    %dot_general3A = arith.constant dense<0.000000e+00> : vector<512x8xf32>
    %dot_general3A_7 = tpu.matmul %get3A_3, %get3A_6, %dot_general3A {dimension_numbers = #tpu.dot_dimension_numbers<[1], [1], [0], [0], [0, 0, 1, 0], [], []>, transpose_lhs_hint = false} : vector<512x1024xf32>, vector<8x1024xf32>, vector<512x8xf32> -> vector<512x8xf32>
    %get3A_8 = arith.constant 0 : index
    %get3A_9 = arith.constant 0 : index
    %get3A_10 = vector.load %arg3[%get3A_8, %get3A_9] : memref<1x8xf32, #tpu.memory_space<vmem>>, vector<1x8xf32>
    %add3A = vector.broadcast %get3A_10 : vector<1x8xf32> to vector<512x8xf32>
    %add3A_11 = arith.addf %dot_general3A_7, %add3A : vector<512x8xf32>
    %reduce_max3A = arith.constant dense<0xFF800000> : vector<512xf32>
    %reduce_max3A_12 = vector.multi_reduction <maximumf>, %add3A_11, %reduce_max3A [1] : vector<512x8xf32> to vector<512xf32>
    %broadcast_in_dim3A = vector.shape_cast %reduce_max3A_12 : vector<512xf32> to vector<512x1xf32>
    %sub3A = vector.broadcast %broadcast_in_dim3A : vector<512x1xf32> to vector<512x8xf32>
    %sub3A_13 = arith.subf %add3A_11, %sub3A : vector<512x8xf32>
    %exp3A = math.exp %sub3A_13 : vector<512x8xf32>
    %reduce_sum3A = arith.constant dense<0.000000e+00> : vector<512xf32>
    %reduce_sum3A_14 = vector.multi_reduction <add>, %exp3A, %reduce_sum3A [1] : vector<512x8xf32> to vector<512xf32>
    %broadcast_in_dim3A_15 = vector.shape_cast %reduce_sum3A_14 : vector<512xf32> to vector<512x1xf32>
    %div3A = arith.constant 1.000000e+00 : f32
    %div3A_16 = vector.broadcast %div3A : f32 to vector<512x1xf32>
    %div3A_17 = arith.divf %div3A_16, %broadcast_in_dim3A_15 : vector<512x1xf32>
    %iota3A = tpu.iota {dimensions = array<i32: 1>} : vector<512x8xi32>
    %eq3A_18 = vector.broadcast %broadcast_in_dim3A : vector<512x1xf32> to vector<512x8xf32>
    %eq3A_19 = arith.cmpf oeq, %add3A_11, %eq3A_18 : vector<512x8xf32>
    %jit3A = arith.constant 8 : i32
    %broadcast_in_dim3A_20 = vector.broadcast %jit3A : i32 to vector<512x8xi32>
    %select_n3A = arith.select %eq3A_19, %iota3A, %broadcast_in_dim3A_20 : vector<512x8xi1>, vector<512x8xi32>
    %reduce_min3A = arith.constant dense<2147483647> : vector<512xi32>
    %reduce_min3A_21 = vector.multi_reduction <minsi>, %select_n3A, %reduce_min3A [1] : vector<512x8xi32> to vector<512xi32>
    %broadcast_in_dim3A_22 = vector.shape_cast %reduce_min3A_21 : vector<512xi32> to vector<512x1xi32>
    %eq3A_23 = vector.broadcast %broadcast_in_dim3A_22 : vector<512x1xi32> to vector<512x8xi32>
    %eq3A_24 = arith.cmpi eq, %iota3A, %eq3A_23 : vector<512x8xi32>
    %convert_element_type3A_25 = arith.extui %eq3A_24 : vector<512x8xi1> to vector<512x8xi32>
    %convert_element_type3A_26 = arith.sitofp %convert_element_type3A_25 : vector<512x8xi32> to vector<512x8xf32>
    %iota3A_27 = tpu.iota {dimensions = array<i32: 0>} : vector<512x512xi32>
    %iota3A_28 = tpu.iota {dimensions = array<i32: 1>} : vector<512x512xi32>
    %ge3A = arith.cmpi sge, %iota3A_27, %iota3A_28 : vector<512x512xi32>
    %convert_element_type3A_29 = arith.extui %ge3A : vector<512x512xi1> to vector<512x512xi32>
    %convert_element_type3A_30 = arith.sitofp %convert_element_type3A_29 : vector<512x512xi32> to vector<512x512xf32>
    %dot_general3A_31 = arith.constant dense<0.000000e+00> : vector<512x8xf32>
    %dot_general3A_32 = tpu.matmul %convert_element_type3A_30, %convert_element_type3A_26, %dot_general3A_31 {dimension_numbers = #tpu.dot_dimension_numbers<[1], [0], [0], [1], [0, 0, 1, 1], [], []>, transpose_lhs_hint = false} : vector<512x512xf32>, vector<512x8xf32>, vector<512x8xf32> -> vector<512x8xf32>
    %get3A_33 = arith.constant 0 : index
    %get3A_34 = arith.constant 0 : index
    %get3A_35 = vector.load %arg8[%get3A_33, %get3A_34] : memref<1x8xf32, #tpu.memory_space<vmem>>, vector<1x8xf32>
    %add3A_36 = vector.broadcast %get3A_35 : vector<1x8xf32> to vector<512x8xf32>
    %add3A_37 = arith.addf %dot_general3A_32, %add3A_36 : vector<512x8xf32>
    %mul3A = arith.mulf %convert_element_type3A_26, %add3A_37 : vector<512x8xf32>
    %reduce_sum3A_38 = arith.constant dense<0.000000e+00> : vector<512xf32>
    %reduce_sum3A_39 = vector.multi_reduction <add>, %mul3A, %reduce_sum3A_38 [1] : vector<512x8xf32> to vector<512xf32>
    %broadcast_in_dim3A_40 = vector.shape_cast %reduce_sum3A_39 : vector<512xf32> to vector<512x1xf32>
    %convert_element_type3A_41 = arith.fptosi %broadcast_in_dim3A_40 : vector<512x1xf32> to vector<512x1xi32>
    %sub3A_42 = arith.constant 1 : i32
    %sub3A_43 = vector.broadcast %sub3A_42 : i32 to vector<512x1xi32>
    %sub3A_44 = arith.subi %convert_element_type3A_41, %sub3A_43 : vector<512x1xi32>
    %lt3A = arith.constant 640 : i32
    %lt3A_45 = vector.broadcast %lt3A : i32 to vector<512x1xi32>
    %lt3A_46 = arith.cmpi slt, %sub3A_44, %lt3A_45 : vector<512x1xi32>
    %mul3A_47 = arith.constant 640 : i32
    %mul3A_48 = vector.broadcast %mul3A_47 : i32 to vector<512x1xi32>
    %mul3A_49 = arith.muli %broadcast_in_dim3A_22, %mul3A_48 : vector<512x1xi32>
    %add3A_50 = arith.addi %mul3A_49, %sub3A_44 : vector<512x1xi32>
    %jit3A_51 = arith.constant 5120 : i32
    %broadcast_in_dim3A_52 = vector.broadcast %jit3A_51 : i32 to vector<512x1xi32>
    %select_n3A_53 = arith.select %lt3A_46, %add3A_50, %broadcast_in_dim3A_52 : vector<512x1xi1>, vector<512x1xi32>
    %swap3A = arith.constant 0 : index
    %swap3A_54 = arith.constant 0 : index
    %swap3A_55 = vector.load %arg4[%swap3A, %swap3A_54] : memref<512x1xi32, #tpu.memory_space<vmem>>, vector<512x1xi32>
    tpu.vector_store %arg4[%swap3A, %swap3A_54], %select_n3A_53 {strides = array<i32>} : memref<512x1xi32, #tpu.memory_space<vmem>>, vector<512x1xi32>,
    %jit3A_56 = arith.constant 0 : i32
    %broadcast_in_dim3A_57 = vector.broadcast %jit3A_56 : i32 to vector<512x1xi32>
    %select_n3A_58 = arith.select %lt3A_46, %add3A_50, %broadcast_in_dim3A_57 : vector<512x1xi1>, vector<512x1xi32>
    %swap3A_59 = arith.constant 0 : index
    %swap3A_60 = arith.constant 0 : index
    %swap3A_61 = vector.load %arg5[%swap3A_59, %swap3A_60] : memref<512x1xi32, #tpu.memory_space<vmem>>, vector<512x1xi32>
    tpu.vector_store %arg5[%swap3A_59, %swap3A_60], %select_n3A_58 {strides = array<i32>} : memref<512x1xi32, #tpu.memory_space<vmem>>, vector<512x1xi32>,
    %convert_element_type3A_62 = arith.extui %lt3A_46 : vector<512x1xi1> to vector<512x1xi32>
    %convert_element_type3A_63 = arith.sitofp %convert_element_type3A_62 : vector<512x1xi32> to vector<512x1xf32>
    %swap3A_64 = arith.constant 0 : index
    %swap3A_65 = arith.constant 0 : index
    %swap3A_66 = vector.load %arg6[%swap3A_64, %swap3A_65] : memref<512x1xf32, #tpu.memory_space<vmem>>, vector<512x1xf32>
    tpu.vector_store %arg6[%swap3A_64, %swap3A_65], %convert_element_type3A_63 {strides = array<i32>} : memref<512x1xf32, #tpu.memory_space<vmem>>, vector<512x1xf32>,
    %swap3A_67 = arith.constant 0 : index
    %swap3A_68 = arith.constant 0 : index
    %swap3A_69 = vector.load %arg7[%swap3A_67, %swap3A_68] : memref<512x1xf32, #tpu.memory_space<vmem>>, vector<512x1xf32>
    tpu.vector_store %arg7[%swap3A_67, %swap3A_68], %div3A_17 {strides = array<i32>} : memref<512x1xf32, #tpu.memory_space<vmem>>, vector<512x1xf32>,
    %get3A_70 = arith.constant 0 : index
    %get3A_71 = arith.constant 0 : index
    %get3A_72 = vector.load %arg8[%get3A_70, %get3A_71] : memref<1x8xf32, #tpu.memory_space<vmem>>, vector<1x8xf32>
    %reduce_sum3A_73 = arith.constant dense<0.000000e+00> : vector<8xf32>
    %reduce_sum3A_74 = vector.multi_reduction <add>, %convert_element_type3A_26, %reduce_sum3A_73 [0] : vector<512x8xf32> to vector<8xf32>
    %broadcast_in_dim3A_75 = vector.shape_cast %reduce_sum3A_74 : vector<8xf32> to vector<1x8xf32>
    %add3A_76 = arith.addf %get3A_72, %broadcast_in_dim3A_75 : vector<1x8xf32>
    %swap3A_77 = arith.constant 0 : index
    %swap3A_78 = arith.constant 0 : index
    %swap3A_79 = vector.load %arg8[%swap3A_77, %swap3A_78] : memref<1x8xf32, #tpu.memory_space<vmem>>, vector<1x8xf32>
    tpu.vector_store %arg8[%swap3A_77, %swap3A_78], %add3A_76 {strides = array<i32>} : memref<1x8xf32, #tpu.memory_space<vmem>>, vector<1x8xf32>,
    return
  }
  func.func @transform_0(%arg0: i32) -> (i32, i32) {
    %c0_i32 = arith.constant 0 : i32
    %c0_i32_0 = arith.constant 0 : i32
    return %arg0, %c0_i32 : i32, i32
  }
  func.func @transform_1(%arg0: i32) -> (i32, i32) {
    %c0_i32 = arith.constant 0 : i32
    %c0_i32_0 = arith.constant 0 : i32
    %c0_i32_1 = arith.constant 0 : i32
    return %c0_i32, %c0_i32_0 : i32, i32
  }
  func.func @transform_2(%arg0: i32) -> (i32, i32) {
    %c0_i32 = arith.constant 0 : i32
    %c0_i32_0 = arith.constant 0 : i32
    %c0_i32_1 = arith.constant 0 : i32
    return %c0_i32, %c0_i32_0 : i32, i32
  }
  func.func @transform_3(%arg0: i32) -> (i32, i32) {
    %c0_i32 = arith.constant 0 : i32
    %c0_i32_0 = arith.constant 0 : i32
    return %arg0, %c0_i32 : i32, i32
  }
  func.func @transform_4(%arg0: i32) -> (i32, i32) {
    %c0_i32 = arith.constant 0 : i32
    %c0_i32_0 = arith.constant 0 : i32
    return %arg0, %c0_i32 : i32, i32
  }
  func.func @transform_5(%arg0: i32) -> (i32, i32) {
    %c0_i32 = arith.constant 0 : i32
    %c0_i32_0 = arith.constant 0 : i32
    return %arg0, %c0_i32 : i32, i32
  }
  func.func @transform_6(%arg0: i32) -> (i32, i32) {
    %c0_i32 = arith.constant 0 : i32
    %c0_i32_0 = arith.constant 0 : i32
    return %arg0, %c0_i32 : i32, i32
  }
}

module attributes {stable_mosaic.version = 14 : i64} {
  func.func @_ffn_body(%arg0: i32, %arg1: i32, %arg2: memref<640x1024xf32, #tpu.memory_space<vmem>>, %arg3: memref<1x1024x512xf32, #tpu.memory_space<vmem>>, %arg4: memref<1x1x512xf32, #tpu.memory_space<vmem>>, %arg5: memref<1x512x1024xf32, #tpu.memory_space<vmem>>, %arg6: memref<1x1x1024xf32, #tpu.memory_space<vmem>>, %arg7: memref<640x1024xf32, #tpu.memory_space<vmem>>) attributes {dimension_semantics = [#tpu.dimension_semantics<arbitrary>, #tpu.dimension_semantics<arbitrary>], iteration_bounds = array<i64: 8, 4>, scalar_prefetch = 0 : i64, scratch_operands = 0 : i64, tpu.core_type = #tpu.core_type<tc>, window_params = [{transform_indices = @transform_0, window_bounds = array<i64: 640, 1024>}, {transform_indices = @transform_1, window_bounds = array<i64: 1, 1024, 512>}, {transform_indices = @transform_2, window_bounds = array<i64: 1, 1, 512>}, {transform_indices = @transform_3, window_bounds = array<i64: 1, 512, 1024>}, {transform_indices = @transform_4, window_bounds = array<i64: 1, 1, 1024>}, {transform_indices = @transform_5, window_bounds = array<i64: 640, 1024>}]} {
    %eq3A = arith.constant 0 : i32
    %eq3A_0 = arith.cmpi eq, %arg1, %eq3A : i32
    %convert_element_type3A = arith.extui %eq3A_0 : i1 to i32
    %cond3A = arith.constant 0 : i32
    %cond3A_1 = arith.cmpi ne, %convert_element_type3A, %cond3A : i32
    scf.if %cond3A_1 {
      %get3A_30 = arith.constant 0 : index
      %get3A_31 = arith.constant 0 : index
      %get3A_32 = arith.constant 0 : index
      %get3A_33 = vector.load %arg6[%get3A_30, %get3A_31, %get3A_32] : memref<1x1x1024xf32, #tpu.memory_space<vmem>>, vector<1x1x1024xf32>
      %squeeze3A_34 = vector.shape_cast %get3A_33 : vector<1x1x1024xf32> to vector<1x1024xf32>
      %broadcast_in_dim3A = vector.shape_cast %squeeze3A_34 : vector<1x1024xf32> to vector<1x1024xf32>
      %broadcast_in_dim3A_35 = vector.broadcast %broadcast_in_dim3A : vector<1x1024xf32> to vector<640x1024xf32>
      %swap3A_36 = arith.constant 0 : index
      %swap3A_37 = arith.constant 0 : index
      %swap3A_38 = vector.load %arg7[%swap3A_36, %swap3A_37] : memref<640x1024xf32, #tpu.memory_space<vmem>>, vector<640x1024xf32>
      tpu.vector_store %arg7[%swap3A_36, %swap3A_37], %broadcast_in_dim3A_35 {strides = array<i32>} : memref<640x1024xf32, #tpu.memory_space<vmem>>, vector<640x1024xf32>,
    } else {
    }
    %get3A = arith.constant 0 : index
    %get3A_2 = arith.constant 0 : index
    %get3A_3 = vector.load %arg2[%get3A, %get3A_2] : memref<640x1024xf32, #tpu.memory_space<vmem>>, vector<640x1024xf32>
    %get3A_4 = arith.constant 0 : index
    %get3A_5 = arith.constant 0 : index
    %get3A_6 = arith.constant 0 : index
    %get3A_7 = vector.load %arg3[%get3A_4, %get3A_5, %get3A_6] : memref<1x1024x512xf32, #tpu.memory_space<vmem>>, vector<1x1024x512xf32>
    %squeeze3A = vector.shape_cast %get3A_7 : vector<1x1024x512xf32> to vector<1024x512xf32>
    %dot_general3A = arith.constant dense<0.000000e+00> : vector<640x512xf32>
    %dot_general3A_8 = tpu.matmul %get3A_3, %squeeze3A, %dot_general3A {dimension_numbers = #tpu.dot_dimension_numbers<[1], [0], [0], [1], [0, 0, 1, 1], [], []>, transpose_lhs_hint = false} : vector<640x1024xf32>, vector<1024x512xf32>, vector<640x512xf32> -> vector<640x512xf32>
    %get3A_9 = arith.constant 0 : index
    %get3A_10 = arith.constant 0 : index
    %get3A_11 = arith.constant 0 : index
    %get3A_12 = vector.load %arg4[%get3A_9, %get3A_10, %get3A_11] : memref<1x1x512xf32, #tpu.memory_space<vmem>>, vector<1x1x512xf32>
    %squeeze3A_13 = vector.shape_cast %get3A_12 : vector<1x1x512xf32> to vector<1x512xf32>
    %add3A = vector.broadcast %squeeze3A_13 : vector<1x512xf32> to vector<640x512xf32>
    %add3A_14 = arith.addf %dot_general3A_8, %add3A : vector<640x512xf32>
    %max3A = arith.constant 0.000000e+00 : f32
    %max3A_15 = vector.broadcast %max3A : f32 to vector<640x512xf32>
    %max3A_16 = arith.maximumf %add3A_14, %max3A_15 : vector<640x512xf32>
    %get3A_17 = arith.constant 0 : index
    %get3A_18 = arith.constant 0 : index
    %get3A_19 = arith.constant 0 : index
    %get3A_20 = vector.load %arg5[%get3A_17, %get3A_18, %get3A_19] : memref<1x512x1024xf32, #tpu.memory_space<vmem>>, vector<1x512x1024xf32>
    %squeeze3A_21 = vector.shape_cast %get3A_20 : vector<1x512x1024xf32> to vector<512x1024xf32>
    %get3A_22 = arith.constant 0 : index
    %get3A_23 = arith.constant 0 : index
    %get3A_24 = vector.load %arg7[%get3A_22, %get3A_23] : memref<640x1024xf32, #tpu.memory_space<vmem>>, vector<640x1024xf32>
    %dot_general3A_25 = arith.constant dense<0.000000e+00> : vector<640x1024xf32>
    %dot_general3A_26 = tpu.matmul %max3A_16, %squeeze3A_21, %dot_general3A_25 {dimension_numbers = #tpu.dot_dimension_numbers<[1], [0], [0], [1], [0, 0, 1, 1], [], []>, transpose_lhs_hint = false} : vector<640x512xf32>, vector<512x1024xf32>, vector<640x1024xf32> -> vector<640x1024xf32>
    %add3A_27 = arith.addf %get3A_24, %dot_general3A_26 : vector<640x1024xf32>
    %swap3A = arith.constant 0 : index
    %swap3A_28 = arith.constant 0 : index
    %swap3A_29 = vector.load %arg7[%swap3A, %swap3A_28] : memref<640x1024xf32, #tpu.memory_space<vmem>>, vector<640x1024xf32>
    tpu.vector_store %arg7[%swap3A, %swap3A_28], %add3A_27 {strides = array<i32>} : memref<640x1024xf32, #tpu.memory_space<vmem>>, vector<640x1024xf32>,
    return
  }
  func.func @transform_0(%arg0: i32, %arg1: i32) -> (i32, i32) {
    %c0_i32 = arith.constant 0 : i32
    %c0_i32_0 = arith.constant 0 : i32
    return %arg0, %c0_i32 : i32, i32
  }
  func.func @transform_1(%arg0: i32, %arg1: i32) -> (i32, i32, i32) {
    %c0_i32 = arith.constant 0 : i32
    %c0_i32_0 = arith.constant 0 : i32
    return %arg0, %c0_i32, %arg1 : i32, i32, i32
  }
  func.func @transform_2(%arg0: i32, %arg1: i32) -> (i32, i32, i32) {
    %c0_i32 = arith.constant 0 : i32
    %c0_i32_0 = arith.constant 0 : i32
    return %arg0, %c0_i32, %arg1 : i32, i32, i32
  }
  func.func @transform_3(%arg0: i32, %arg1: i32) -> (i32, i32, i32) {
    %c0_i32 = arith.constant 0 : i32
    %c0_i32_0 = arith.constant 0 : i32
    return %arg0, %arg1, %c0_i32 : i32, i32, i32
  }
  func.func @transform_4(%arg0: i32, %arg1: i32) -> (i32, i32, i32) {
    %c0_i32 = arith.constant 0 : i32
    %c0_i32_0 = arith.constant 0 : i32
    %c0_i32_1 = arith.constant 0 : i32
    return %arg0, %c0_i32, %c0_i32_0 : i32, i32, i32
  }
  func.func @transform_5(%arg0: i32, %arg1: i32) -> (i32, i32) {
    %c0_i32 = arith.constant 0 : i32
    %c0_i32_0 = arith.constant 0 : i32
    return %arg0, %c0_i32 : i32, i32
  }
}

module attributes {stable_mosaic.version = 14 : i64} {
  func.func @_blend_body(%arg0: i32, %arg1: memref<512x1024xf32, #tpu.memory_space<vmem>>, %arg2: memref<512x1024xf32, #tpu.memory_space<vmem>>, %arg3: memref<512x1xf32, #tpu.memory_space<vmem>>, %arg4: memref<512x1xf32, #tpu.memory_space<vmem>>, %arg5: memref<512x1024xf32, #tpu.memory_space<vmem>>) attributes {dimension_semantics = [#tpu.dimension_semantics<arbitrary>], iteration_bounds = array<i64: 8>, scalar_prefetch = 0 : i64, scratch_operands = 0 : i64, tpu.core_type = #tpu.core_type<tc>, window_params = [{transform_indices = @transform_0, window_bounds = array<i64: 512, 1024>}, {transform_indices = @transform_1, window_bounds = array<i64: 512, 1024>}, {transform_indices = @transform_2, window_bounds = array<i64: 512, 1>}, {transform_indices = @transform_3, window_bounds = array<i64: 512, 1>}, {transform_indices = @transform_4, window_bounds = array<i64: 512, 1024>}]} {
    %get3A = arith.constant 0 : index
    %get3A_0 = arith.constant 0 : index
    %get3A_1 = vector.load %arg3[%get3A, %get3A_0] : memref<512x1xf32, #tpu.memory_space<vmem>>, vector<512x1xf32>
    %gt3A = arith.constant 0.000000e+00 : f32
    %gt3A_2 = vector.broadcast %gt3A : f32 to vector<512x1xf32>
    %gt3A_3 = arith.cmpf ogt, %get3A_1, %gt3A_2 : vector<512x1xf32>
    %get3A_4 = arith.constant 0 : index
    %get3A_5 = arith.constant 0 : index
    %get3A_6 = vector.load %arg1[%get3A_4, %get3A_5] : memref<512x1024xf32, #tpu.memory_space<vmem>>, vector<512x1024xf32>
    %get3A_7 = arith.constant 0 : index
    %get3A_8 = arith.constant 0 : index
    %get3A_9 = vector.load %arg2[%get3A_7, %get3A_8] : memref<512x1024xf32, #tpu.memory_space<vmem>>, vector<512x1024xf32>
    %broadcast_in_dim3A = vector.shape_cast %gt3A_3 : vector<512x1xi1> to vector<512x1xi1>
    %broadcast_in_dim3A_10 = vector.broadcast %broadcast_in_dim3A : vector<512x1xi1> to vector<512x1024xi1>
    %select_n3A = arith.select %broadcast_in_dim3A_10, %get3A_6, %get3A_9 : vector<512x1024xi1>, vector<512x1024xf32>
    %get3A_11 = arith.constant 0 : index
    %get3A_12 = arith.constant 0 : index
    %get3A_13 = vector.load %arg4[%get3A_11, %get3A_12] : memref<512x1xf32, #tpu.memory_space<vmem>>, vector<512x1xf32>
    %mul3A = vector.broadcast %get3A_13 : vector<512x1xf32> to vector<512x1024xf32>
    %mul3A_14 = arith.mulf %select_n3A, %mul3A : vector<512x1024xf32>
    %swap3A = arith.constant 0 : index
    %swap3A_15 = arith.constant 0 : index
    %swap3A_16 = vector.load %arg5[%swap3A, %swap3A_15] : memref<512x1024xf32, #tpu.memory_space<vmem>>, vector<512x1024xf32>
    tpu.vector_store %arg5[%swap3A, %swap3A_15], %mul3A_14 {strides = array<i32>} : memref<512x1024xf32, #tpu.memory_space<vmem>>, vector<512x1024xf32>,
    return
  }
  func.func @transform_0(%arg0: i32) -> (i32, i32) {
    %c0_i32 = arith.constant 0 : i32
    %c0_i32_0 = arith.constant 0 : i32
    return %arg0, %c0_i32 : i32, i32
  }
  func.func @transform_1(%arg0: i32) -> (i32, i32) {
    %c0_i32 = arith.constant 0 : i32
    %c0_i32_0 = arith.constant 0 : i32
    return %arg0, %c0_i32 : i32, i32
  }
  func.func @transform_2(%arg0: i32) -> (i32, i32) {
    %c0_i32 = arith.constant 0 : i32
    %c0_i32_0 = arith.constant 0 : i32
    return %arg0, %c0_i32 : i32, i32
  }
  func.func @transform_3(%arg0: i32) -> (i32, i32) {
    %c0_i32 = arith.constant 0 : i32
    %c0_i32_0 = arith.constant 0 : i32
    return %arg0, %c0_i32 : i32, i32
  }
  func.func @transform_4(%arg0: i32) -> (i32, i32) {
    %c0_i32 = arith.constant 0 : i32
    %c0_i32_0 = arith.constant 0 : i32
    return %arg0, %c0_i32 : i32, i32
  }
}

</mosaic_0001>

<sc_bundles>
// kernel: kernel.10.cloned.1.call-start
scs
__scs_entry_jumppad:
0x0: {  	(pc) =	sbr.rel $0x88, $3  }
0x1: {  	(tag) =	ssettag $0x0;
	lr =	simm.s32 $0x1  }
0x2: {  	[smem:$0x3F9A] =	sst lr;
	_ =	strace $0xD0000000  }
0x3: {  	_ = 	snop  }
0x4: {  	_ = 	snop  }
0x5: {  	_ = 	snop  }
0x6: {  	_ = 	snop  }
0x7: {  	_ = 	snop  }
__scs_overlays_trampoline_lowered:
0x8: {  	[smem:$0x3FA9] =	sst s0  }
0x9: {  	[smem:$0x3FAA] =	sst s1  }
0xa: {  	[smem:$0x3FAB] =	sst s2  }
0xb: {  	[smem:$0x3FAC] =	sst s3  }
0xc: {  	[smem:$0x3FAD] =	sst s4  }
0xd: {  	[smem:$0x3FAE] =	sst s5  }
0xe: {  	[smem:$0x3FAF] =	sst s6  }
0xf: {  	[smem:$0x3FB0] =	sst s7  }
0x10: {  	[smem:$0x3FB1] =	sst s8  }
0x11: {  	[smem:$0x3FB2] =	sst s9;
	s0 =	simm.s32 @!p0 $0x0  }
0x12: {  	s1 =	sld [smem:$0x3F98];
	s0 =	simm.s32 @p0 $0x1  }
0x13: {  	[smem:$0x3FB3] =	sst s0;
	s0 =	simm.s32 @!p1 $0x0  }
0x14: {  	s2 =	sld [smem:$0x3F97];
	s0 =	simm.s32 @p1 $0x1  }
0x15: {  	[smem:$0x3FB4] =	sst s0;
	s0 =	simm.s32 @!p2 $0x0  }
0x16: {  	s3 =	sld [smem:$0x3FDB];
	s0 =	simm.s32 @p2 $0x1  }
0x17: {  	s4 =	simm.s32 $0x1BF5;
	[smem:$0x3FB6] =	sst s0  }
0x18: {  	s0 =	sld [smem:$0x3F99];
	_ =	swait.ge [sflag:s4], $0x0  }
0x19: {  	s7 =	sld [smem:$0x3F9A]  }
0x1a: {  	s8 =	sadd.s32 $0xFFFFE003, lr  }
0x1b: {  	s9 =	sadd.s32 $0xFFFFFEF7, lr;
	s5 =	simm.s32 $0xFFFFFFFF;
	p2 =	slt.u32 s8, $0xFFFFF086  }
0x1c: {  	p1 =	slt.u32 s9, $0xF7A;
	s5 =	simm.s32 @!p2 $0x0  }
0x1d: {  	s5 =	simm.s32 @p1 $0x1;
	p0 =	seq.s32 s7, s2  }
0x1e: {  	s7 =	smul.u32 @!p0 $0xF7A, s2;
	p2 =	seq.s32 @!p0 s5, $0x0  }
0x1f: {  	s9 =	smul.u32 $0xF7A, s1;
	s8 =	simm.s32 @!p0 $0x1BF5;
	p2 =	por !p2, p0  }
0x20: {  	[sflag:s8] =	ssyncset.s32 @!p0 $0xFFFFF086;
	s6 =	sadd.s32 @!p0 s3, s7;
	s7 =	simm.s32 @!p0 $0x108  }
0x21: {  	s3 =	sadd.s32 s3, s9;
	s6 =	sadd.s32 @!p0 $0x88, s6;
	s7 =	simm.s32 @p2 $0x1082  }
0x22: {  	[simem:s7], [sflag:s8] =	dma.local @!p0 [hbm:s6], $0xF7A  }
0x23: {  	s9 =	sor.u32 $0xD0000000, s2;
	s6 =	simm.s32 $0x108;
	_ =	swait.ge @!p0 [sflag:s8], $0x0  }
0x24: {  	s3 =	sadd.s32 $0x88, s3;
	s6 =	simm.s32 @!p1 $0x1082;
	[sflag:s4] =	ssyncset.s32 $0xFFFFF086  }
0x25: {  	[simem:s6], [sflag:s4] =	dma.local [hbm:s3], $0xF7A  }
0x26: {  	[smem:$0x3F9A] =	sst s1;
	(tag) =	ssettag s2;
	_ =	strace s9  }
0x27: {  	s1 =	sld [smem:$0x3FAA]  }
0x28: {  	s2 =	sld [smem:$0x3FAB]  }
0x29: {  	s4 =	sld [smem:$0x3FAD]  }
0x2a: {  	p0 =	seq.s32 s5, $0x0;
	s5 =	sld [smem:$0x3FAE]  }
0x2b: {  	s6 =	sld [smem:$0x3FAF]  }
0x2c: {  	s7 =	sld [smem:$0x3FB0]  }
0x2d: {  	s3 =	simm.s32 $0x108;
	s8 =	sld [smem:$0x3FB1]  }
0x2e: {  	s3 =	simm.s32 @!p0 $0x1082;
	s9 =	sld [smem:$0x3FB2]  }
0x2f: {  	lr =	sadd.s32 s0, s3;
	s0 =	sld [smem:$0x3FA9]  }
0x30: {  	s3 =	sld [smem:$0x3FAC]  }
0x31: {  	[smem:$0x3FB5] =	sst s10  }
0x32: {  	s10 =	sld [smem:$0x3FB3];
	_ =	sdelay $0x3  }
0x33: {  	p0 =	seq.s32 s10, $0x1;
	s10 =	sld [smem:$0x3FB5];
	_ =	sdelay $0x3  }
0x34: {  	[smem:$0x3FB5] =	sst s10  }
0x35: {  	s10 =	sld [smem:$0x3FB4];
	_ =	sdelay $0x3  }
0x36: {  	p1 =	seq.s32 s10, $0x1;
	s10 =	sld [smem:$0x3FB5];
	_ =	sdelay $0x3  }
0x37: {  	[smem:$0x3FB5] =	sst s10  }
0x38: {  	s10 =	sld [smem:$0x3FB6]  }
0x39: {  	_ = 	snop;
	(pc) =	sbr.ind lr, $3  }
0x3a: {  	_ = 	snop  }
0x3b: {  	_ = 	snop  }
0x3c: {  	p2 =	seq.s32 s10, $0x1;
	s10 =	sld [smem:$0x3FB5]  }
0x3d: {  	_ =	shalt  }
0x3e: {  	_ =	shalt  }
0x3f: {  	_ =	shalt  }
0x40: {  	_ =	shalt  }
0x41: {  	_ =	shalt  }
0x42: {  	_ =	shalt  }
0x43: {  	_ =	shalt  }
0x44: {  	_ =	shalt  }
0x45: {  	_ =	shalt  }
0x46: {  	_ =	shalt  }
0x47: {  	_ =	shalt  }
0x48: {  	_ =	shalt  }
0x49: {  	_ =	shalt  }
0x4a: {  	_ =	shalt  }
0x4b: {  	_ =	shalt  }
0x4c: {  	_ =	shalt  }
0x4d: {  	_ =	shalt  }
0x4e: {  	_ =	shalt  }
0x4f: {  	_ =	shalt  }
0x50: {  	_ =	shalt  }
0x51: {  	_ =	shalt  }
0x52: {  	_ =	shalt  }
0x53: {  	_ =	shalt  }
0x54: {  	_ =	shalt  }
0x55: {  	_ =	shalt  }
0x56: {  	_ =	shalt  }
0x57: {  	_ =	shalt  }
0x58: {  	_ =	shalt  }
0x59: {  	_ =	shalt  }
0x5a: {  	_ =	shalt  }
0x5b: {  	_ =	shalt  }
0x5c: {  	_ =	shalt  }
0x5d: {  	_ =	shalt  }
0x5e: {  	_ =	shalt  }
0x5f: {  	_ =	shalt  }
0x60: {  	_ =	shalt  }
0x61: {  	_ =	shalt  }
0x62: {  	_ =	shalt  }
0x63: {  	_ =	shalt  }
0x64: {  	_ =	shalt  }
0x65: {  	_ =	shalt  }
0x66: {  	_ =	shalt  }
0x67: {  	_ =	shalt  }
0x68: {  	_ =	shalt  }
0x69: {  	_ =	shalt  }
0x6a: {  	_ =	shalt  }
0x6b: {  	_ =	shalt  }
0x6c: {  	_ =	shalt  }
0x6d: {  	_ =	shalt  }
0x6e: {  	_ =	shalt  }
0x6f: {  	_ =	shalt  }
0x70: {  	_ =	shalt  }
0x71: {  	_ =	shalt  }
0x72: {  	_ =	shalt  }
0x73: {  	_ =	shalt  }
0x74: {  	_ =	shalt  }
0x75: {  	_ =	shalt  }
0x76: {  	_ =	shalt  }
0x77: {  	_ =	shalt  }
0x78: {  	_ =	shalt  }
0x79: {  	_ =	shalt  }
0x7a: {  	_ =	shalt  }
0x7b: {  	_ =	shalt  }
0x7c: {  	_ =	shalt  }
0x7d: {  	_ =	shalt  }
0x7e: {  	_ =	shalt  }
0x7f: {  	_ =	shalt  }
0x80: {  	_ =	shalt  }
0x81: {  	_ =	shalt  }
0x82: {  	_ =	shalt  }
0x83: {  	_ =	shalt  }
0x84: {  	_ =	shalt  }
0x85: {  	_ =	shalt  }
0x86: {  	_ =	shalt  }
0x87: {  	_ =	shalt  }
.Lfunc_end0:
.L_simem_size_0:
called_computation.1_lowered:
.L_overlay_start_0:
0x88: {  	s2 =	sld [smem:$0x3FD9]  }
0x89: {  	s3 =	sld [smem:$0x3FFE];
	_ =	sdelay $0x1  }
0x8a: {  	s1 =	srdreg.scid  }
0x8b: {  	s0 =	sand.u32 $0x1, s1  }
0x8c: {  	s16 =	sshll.u32 s0, $0xA;
	s2 =	sadd.s32 s3, s2  }
0x8d: {  	s2 =	sadd.s32 s2, s16  }
0x8e: {  	[smem:$0x3FC1] =	sst s2  }
0x8f: {  	_ = 	snop  }
0x90: {  	(tm) =	ssettm $0x1  }
0x91: {  	s17 =	sld [smem:$0x3FFB];
	_ =	sdelay $0x3  }
0x92: {  	_ =	strace s17  }
0x93: {  	s2 =	sld [smem:$0x3FFC];
	_ =	sdelay $0x3  }
0x94: {  	_ =	strace s2  }
0x95: {  	s2 =	sld [smem:$0x3FFD];
	_ =	sdelay $0x3  }
0x96: {  	_ =	strace s2  }
0x97: {  	_ =	strace $0x8FFFFFFF  }
0x98: {  	s18 =	sld [smem:$0x3FDB];
	_ =	sdelay $0x1  }
0x99: {  	s19 =	simm.s32 $_scs_section_size  }
0x9a: {  	s4 =	simm.s32 $_size__tile_overlayer_lowered;
	s5 =	simm.s32 $_tile_overlayer_lowered  }
0x9b: {  	s22 =	simm.s32 $0x1BFF;
	s21 =	sshll.u32 s5, $0x1;
	s2 =	sadd.s32 s19, s18  }
0x9c: {  	s6 =	simm.s32 $0x0;
	s20 =	sshll.u32 s4, $0x1;
	s4 =	sadd.s32 s21, s2  }
0x9d: {  	[timem:s6], [sflag:s22] =	dma.local [hbm:s4], s20  }
0x9e: {  	_ =	swait.ge [sflag:s22], s20  }
0x9f: {  	s3 =	ssub.s32 $0x0, s20;
	[sflag:s22] =	ssyncset.done $0x0  }
0xa0: {  	[sflag:s22] =	ssyncadd.s32 s3;
	_ =	sdelay $0x1  }
0xa1: {  	s23 =	simm.s32 $0x1B8B  }
0xa2: {  	_ =	swait.ge [sflag:s23], $0x1  }
0xa3: {  	[sflag:s23] =	ssyncset.done $0x0  }
0xa4: {  	s25 =	simm.s32 $0x1B8E;
	s24 =	sld [smem:$0x3FFE];
	[sflag:s23] =	ssyncadd.s32 $0xFFFFFFFF  }
0xa5: {  	s26 =	simm.s32 $execute0_lowered;
	[smem:$0x3FD2] =	sst s25  }
0xa6: {  	s4 =	sshll.u32 s26, $0x1;
	_ =	strace $0x80000049;
	[dreg:$0x1] =	wrdreg $0xFFFFFFFF  }
0xa7: {  	s28 =	simm.s32 $_size_execute0_lowered;
	s2 =	sadd.s32 s2, s4;
	[dreg:$0x0] =	wrdreg $0x0  }
0xa8: {  	s4 =	sshll.u32 s28, $0x1;
	[dreg:$0x2] =	wrdreg s2  }
0xa9: {  	[dreg:$0x3] =	wrdreg s4  }
0xaa: {  	[dreg:$0x4] =	wrdreg $0xC0  }
0xab: {  	_ =	task [dreg:s6], $0x5FFFF  }
0xac: {  	[dreg:$0x1] =	wrdreg $0xFFFFFFFF  }
0xad: {  	[dreg:$0x0] =	wrdreg $0x60  }
0xae: {  	[dreg:$0x2] =	wrdreg s24  }
0xaf: {  	[dreg:$0x3] =	wrdreg $0x9  }
0xb0: {  	_ =	task.clear_ibuf [dreg:s6], $0x4FFFF;
	_ =	strace $0x90000049  }
0xb1: {  	s29 =	simm.s32 $0x9;
	_ =	strace $0x8000004B  }
0xb2: {  	_ =	swait.ge [sflag:s29], $0x1  }
0xb3: {  	[sflag:s29] =	ssyncadd.s32 $0xFFFFFFFF  }
0xb4: {  	_ =	strace $0x9000004B  }
0xb5: {  	_ =	sfence  }
0xb6: {  	s30 =	sld [smem:$0x0];
	_ =	sdelay $0x2  }
0xb7: {  	s31 =	sshll.u32 s1, $0xD;
	s1 =	sshrl.u32 s1, $0x2  }
0xb8: {  	s3 =	sand.u32 $0x4000, s31;
	s1 =	sadd.s32 s1, s30  }
0xb9: {  	s0 =	sor.u32 s3, s0;
	s1 =	sshll.u32 s1, $0x11  }
0xba: {  	s0 =	sor.u32 s1, s0  }
0xbb: {  	s0 =	sadd.s32 $0x8F2B, s0  }
0xbc: {  	[sflag:s0] =	ssyncadd.remote.s32 $0x1  }
0xbd: {  	_ =	sfence.sel $0xFFFF  }
0xbe: {  	[dreg:$0x0] =	wrdreg $0xFFFFFFFF;
	(pc) =	sbr.abs _section_cstart, $3  }
0xbf: {  	[dreg:$0x1] =	wrdreg $0xFFFFFFFF  }
0xc0: {  	_ =	task.clear_ibuf [dreg:s6], $0x2FFFF;
	_ =	strace $0x9FFFFFFF  }
0xc1: {  	(tm) =	ssettm $0x7FFFFFFF  }
tec
execute0_lowered:
.L_overlay_start_1:
0x0: {  	(tag) =	ssettag $0x1  }
0x1: {  	s0 =	rddreg [dreg:$0x0];
	s1 =	srdreg.scid  }
0x2: {  	s2 =	simm.s32 $0x0;
	s3 =	stileid.u32;
	s18 =	simm.s32 $0x1  }
0x3: {  	s20 =	simm.s32 $0x880;
	s21 =	simm.s32 $0x1080;
	s22 =	simm.s32 $0x1880  }
0x4: {  	s23 =	simm.s32 $0x2080;
	s28 =	simm.s32 $0x4080;
	s29 =	simm.s32 $0x4880  }
0x5: {  	s30 =	simm.s32 $0x5080;
	s31 =	simm.s32 $0x5880;
	s11 =	simm.s32 $0x7880  }
0x6: {  	s12 =	simm.s32 $0x8080;
	s13 =	simm.s32 $0x8880;
	s14 =	simm.s32 $0x9080  }
0x7: {  	s15 =	simm.s32 $0x9880;
	s16 =	simm.s32 $0xA080;
	s17 =	simm.s32 $0xA880  }
0x8: {  	s1 =	sand.u32 $0x1, s1;
	[smem:$0x7FF] =	sst s2;
	s3 =	sshll.u32 s3, $0x8  }
0x9: {  	s6 =	sadd.s32 $0xC2200, s0;
	s8 =	sadd.s32 $0x21000, s0;
	s4 =	sshll.u32 s1, $0x7  }
0xa: {  	_ =	strace $0x8000004A;
	s1 =	ssub.s32 $0x2, s1;
	s5 =	sor.u32 s4, s3  }
0xb: {  	s3 =	sadd.s32 $0xC2400, s0;
	s7 =	sshrl.u32 s1, $0x1;
	s4 =	sshrl.u32 s5, $0x3  }
0xc: {  	s1 =	ssub.s32 s1, s7;
	s24 =	sshll.u32 s5, $0x7;
	s9 =	sor.u32 $0x40, s5  }
0xd: {  	s5 =	sadd.s32 $0xC2600, s0;
	s4 =	sadd.s32 s6, s4;
	s7 =	sadd.s32 s8, s24  }
0xe: {  	s10 =	sshrl.u32 s9, $0x3;
	s9 =	sshll.u32 s9, $0x7;
	[dreg:$0x2] =	wrdreg s4  }
0xf: {  	s24 =	simm.s32 $0x2880;
	s4 =	sadd.s32 $0xC2500, s0;
	[dreg:$0x3] =	wrdreg s7  }
0x10: {  	s25 =	sadd.s32 s6, s10;
	s6 =	sadd.s32 $0xC2700, s0;
	s26 =	sadd.s32 s8, s9  }
0x11: {  	v2 =	vlaneseq.u32;
	s7 =	smax.u32 s1, $0x1;
	s8 =	simm.s32 $0x2;
	s0 =	simm.s32 $0x80  }
0x12: {  	vm0 =	vmmov $0xffff;
	v1 =	vshrl.u32 v2, $0x3;
	s10 =	simm.s32 $0x7080;
	s9 =	simm.s32 $0xB080;
	[dreg:$0x4] =	wrdreg s25  }
0x13: {  	v0 =	vand.u32 $0x7, v2;
	v2 =	vor.u32 $0x8, v2;
	v1 =	vmul.u32 $0x8, v1;
	[dreg:$0x5] =	wrdreg s26;
	s25 =	simm.s32 $0x3080;
	s26 =	simm.s32 $0x3880  }
.LBB2_1:
0x14: {  	s19 =	rddreg [dreg:$0x2]  }
0x15: {  	[tilespmem:s2], [sflag:$0x2] =	stream.linear.gather [hbm4b:s19+s2], $0x40, $0x38;
	[tilespmem:$0x10080] =	vst v63  }
0x16: {  	_ =	swait.ge [sflag:s8], $0x40  }
0x17: {  	[sflag:s8] =	ssyncset.done $0x0  }
0x18: {  	[sflag:s8] =	ssyncadd.s32 $0xFFFFFFC0  }
0x19: {  	v3 =	vld [tilespmem:$0x0];
	_ =	sdelay $0x4  }
0x1a: {  	v4 =	vshll.u32 v3, $0x3  }
0x1b: {  	v3 =	vand.u32 $0x7, v3;
	v4 =	vand.u32 $0xFFFFFFC0, v4  }
0x1c: {  	v3 =	vor.u32 v3, v4  }
0x1d: {  	v4 =	vperm.xlane v3, v0;
	_ =	sdelay $0x1  }
0x1e: {  	v4 =	vadd.s32 v1, v4;
	_ =	sdelay $0x4  }
0x1f: {  	[tilespmem:s0], [sflag:$0x1] =	stream.indirect_vreg.gather [hbm4b:s3+s2], $0x80, v4, vm0, $0xb8;
	[tilespmem:$0x10080] =	vst v63  }
0x20: {  	v3 =	vperm.xlane v3, v2  }
0x21: {  	[tilespmem:s20], [sflag:$0x1] =	stream.indirect_vreg.gather [hbm4b:s4+s2], $0x80, v4, vm0, $0xb8;
	[tilespmem:$0x10080] =	vst v63  }
0x22: {  	v3 =	vadd.s32 v1, v3  }
0x23: {  	[tilespmem:s21], [sflag:$0x1] =	stream.indirect_vreg.gather [hbm4b:s5+s2], $0x80, v4, vm0, $0xb8;
	[tilespmem:$0x10080] =	vst v63  }
0x24: {  	_ = 	snop  }
0x25: {  	[tilespmem:s22], [sflag:$0x1] =	stream.indirect_vreg.gather [hbm4b:s6+s2], $0x80, v4, vm0, $0xb8;
	[tilespmem:$0x10080] =	vst v63  }
0x26: {  	_ = 	snop  }
0x27: {  	[tilespmem:s23], [sflag:$0x1] =	stream.indirect_vreg.gather [hbm4b:s3+s2], $0x80, v3, vm0, $0xb8;
	[tilespmem:$0x10080] =	vst v63  }
0x28: {  	_ = 	snop  }
0x29: {  	[tilespmem:s24], [sflag:$0x1] =	stream.indirect_vreg.gather [hbm4b:s4+s2], $0x80, v3, vm0, $0xb8;
	[tilespmem:$0x10080] =	vst v63  }
0x2a: {  	_ = 	snop  }
0x2b: {  	[tilespmem:s25], [sflag:$0x1] =	stream.indirect_vreg.gather [hbm4b:s5+s2], $0x80, v3, vm0, $0xb8;
	[tilespmem:$0x10080] =	vst v63  }
0x2c: {  	_ = 	snop  }
0x2d: {  	[tilespmem:s26], [sflag:$0x1] =	stream.indirect_vreg.gather [hbm4b:s6+s2], $0x80, v3, vm0, $0xb8;
	[tilespmem:$0x10080] =	vst v63  }
0x2e: {  	v3 =	vld [tilespmem:$0x10];
	_ =	sdelay $0x4  }
0x2f: {  	v57 =	vshll.u32 v3, $0x3  }
0x30: {  	v3 =	vand.u32 $0x7, v3;
	v4 =	vand.u32 $0xFFFFFFC0, v57  }
0x31: {  	v3 =	vor.u32 v3, v4  }
0x32: {  	v4 =	vperm.xlane v3, v0;
	_ =	sdelay $0x1  }
0x33: {  	v4 =	vadd.s32 v1, v4;
	_ =	sdelay $0x4  }
0x34: {  	[tilespmem:s28], [sflag:$0x1] =	stream.indirect_vreg.gather [hbm4b:s3+s2], $0x80, v4, vm0, $0xb8;
	[tilespmem:$0x10080] =	vst v63  }
0x35: {  	v3 =	vperm.xlane v3, v2  }
0x36: {  	[tilespmem:s29], [sflag:$0x1] =	stream.indirect_vreg.gather [hbm4b:s4+s2], $0x80, v4, vm0, $0xb8;
	[tilespmem:$0x10080] =	vst v63  }
0x37: {  	v3 =	vadd.s32 v1, v3  }
0x38: {  	[tilespmem:s30], [sflag:$0x1] =	stream.indirect_vreg.gather [hbm4b:s5+s2], $0x80, v4, vm0, $0xb8;
	[tilespmem:$0x10080] =	vst v63  }
0x39: {  	_ = 	snop  }
0x3a: {  	[tilespmem:s31], [sflag:$0x1] =	stream.indirect_vreg.gather [hbm4b:s6+s2], $0x80, v4, vm0, $0xb8;
	[tilespmem:$0x10080] =	vst v63  }
0x3b: {  	s1 =	simm.s32 $0x6080  }
0x3c: {  	[tilespmem:s1], [sflag:$0x1] =	stream.indirect_vreg.gather [hbm4b:s3+s2], $0x80, v3, vm0, $0xb8;
	[tilespmem:$0x10080] =	vst v63  }
0x3d: {  	s1 =	simm.s32 $0x6880  }
0x3e: {  	[tilespmem:s1], [sflag:$0x1] =	stream.indirect_vreg.gather [hbm4b:s4+s2], $0x80, v3, vm0, $0xb8;
	[tilespmem:$0x10080] =	vst v63  }
0x3f: {  	_ = 	snop  }
0x40: {  	[tilespmem:s10], [sflag:$0x1] =	stream.indirect_vreg.gather [hbm4b:s5+s2], $0x80, v3, vm0, $0xb8;
	[tilespmem:$0x10080] =	vst v63  }
0x41: {  	_ = 	snop  }
0x42: {  	[tilespmem:s11], [sflag:$0x1] =	stream.indirect_vreg.gather [hbm4b:s6+s2], $0x80, v3, vm0, $0xb8;
	[tilespmem:$0x10080] =	vst v63  }
0x43: {  	v3 =	vld [tilespmem:$0x20];
	_ =	sdelay $0x4  }
0x44: {  	v58 =	vshll.u32 v3, $0x3  }
0x45: {  	v3 =	vand.u32 $0x7, v3;
	v4 =	vand.u32 $0xFFFFFFC0, v58  }
0x46: {  	v3 =	vor.u32 v3, v4  }
0x47: {  	v4 =	vperm.xlane v3, v0;
	_ =	sdelay $0x1  }
0x48: {  	v4 =	vadd.s32 v1, v4;
	_ =	sdelay $0x4  }
0x49: {  	[tilespmem:s12], [sflag:$0x1] =	stream.indirect_vreg.gather [hbm4b:s3+s2], $0x80, v4, vm0, $0xb8;
	[tilespmem:$0x10080] =	vst v63  }
0x4a: {  	v3 =	vperm.xlane v3, v2  }
0x4b: {  	[tilespmem:s13], [sflag:$0x1] =	stream.indirect_vreg.gather [hbm4b:s4+s2], $0x80, v4, vm0, $0xb8;
	[tilespmem:$0x10080] =	vst v63  }
0x4c: {  	v3 =	vadd.s32 v1, v3  }
0x4d: {  	[tilespmem:s14], [sflag:$0x1] =	stream.indirect_vreg.gather [hbm4b:s5+s2], $0x80, v4, vm0, $0xb8;
	[tilespmem:$0x10080] =	vst v63  }
0x4e: {  	_ = 	snop  }
0x4f: {  	[tilespmem:s15], [sflag:$0x1] =	stream.indirect_vreg.gather [hbm4b:s6+s2], $0x80, v4, vm0, $0xb8;
	[tilespmem:$0x10080] =	vst v63  }
0x50: {  	_ = 	snop  }
0x51: {  	[tilespmem:s16], [sflag:$0x1] =	stream.indirect_vreg.gather [hbm4b:s3+s2], $0x80, v3, vm0, $0xb8;
	[tilespmem:$0x10080] =	vst v63  }
0x52: {  	_ = 	snop  }
0x53: {  	[tilespmem:s17], [sflag:$0x1] =	stream.indirect_vreg.gather [hbm4b:s4+s2], $0x80, v3, vm0, $0xb8;
	[tilespmem:$0x10080] =	vst v63  }
0x54: {  	_ = 	snop  }
0x55: {  	[tilespmem:s9], [sflag:$0x1] =	stream.indirect_vreg.gather [hbm4b:s5+s2], $0x80, v3, vm0, $0xb8;
	[tilespmem:$0x10080] =	vst v63  }
0x56: {  	s19 =	simm.s32 $0xB880  }
0x57: {  	[tilespmem:s19], [sflag:$0x1] =	stream.indirect_vreg.gather [hbm4b:s6+s2], $0x80, v3, vm0, $0xb8;
	[tilespmem:$0x10080] =	vst v63  }
0x58: {  	v3 =	vld [tilespmem:$0x30];
	_ =	sdelay $0x4  }
0x59: {  	v59 =	vshll.u32 v3, $0x3  }
0x5a: {  	v3 =	vand.u32 $0x7, v3;
	v4 =	vand.u32 $0xFFFFFFC0, v59  }
0x5b: {  	v3 =	vor.u32 v3, v4  }
0x5c: {  	v4 =	vperm.xlane v3, v0;
	_ =	sdelay $0x1  }
0x5d: {  	v4 =	vadd.s32 v1, v4;
	_ =	sdelay $0x3  }
0x5e: {  	s19 =	simm.s32 $0xC080  }
0x5f: {  	[tilespmem:s19], [sflag:$0x1] =	stream.indirect_vreg.gather [hbm4b:s3+s2], $0x80, v4, vm0, $0xb8;
	[tilespmem:$0x10080] =	vst v63  }
0x60: {  	v3 =	vperm.xlane v3, v2;
	s19 =	simm.s32 $0xC880  }
0x61: {  	[tilespmem:s19], [sflag:$0x1] =	stream.indirect_vreg.gather [hbm4b:s4+s2], $0x80, v4, vm0, $0xb8;
	[tilespmem:$0x10080] =	vst v63  }
0x62: {  	v3 =	vadd.s32 v1, v3;
	s19 =	simm.s32 $0xD080  }
0x63: {  	[tilespmem:s19], [sflag:$0x1] =	stream.indirect_vreg.gather [hbm4b:s5+s2], $0x80, v4, vm0, $0xb8;
	[tilespmem:$0x10080] =	vst v63  }
0x64: {  	s19 =	simm.s32 $0xD880  }
0x65: {  	[tilespmem:s19], [sflag:$0x1] =	stream.indirect_vreg.gather [hbm4b:s6+s2], $0x80, v4, vm0, $0xb8;
	[tilespmem:$0x10080] =	vst v63  }
0x66: {  	s19 =	simm.s32 $0xE080  }
0x67: {  	[tilespmem:s19], [sflag:$0x1] =	stream.indirect_vreg.gather [hbm4b:s3+s2], $0x80, v3, vm0, $0xb8;
	[tilespmem:$0x10080] =	vst v63  }
0x68: {  	s19 =	simm.s32 $0xE880  }
0x69: {  	[tilespmem:s19], [sflag:$0x1] =	stream.indirect_vreg.gather [hbm4b:s4+s2], $0x80, v3, vm0, $0xb8;
	[tilespmem:$0x10080] =	vst v63  }
0x6a: {  	s19 =	simm.s32 $0xF080  }
0x6b: {  	[tilespmem:s19], [sflag:$0x1] =	stream.indirect_vreg.gather [hbm4b:s5+s2], $0x80, v3, vm0, $0xb8;
	[tilespmem:$0x10080] =	vst v63  }
0x6c: {  	s19 =	simm.s32 $0xF880  }
0x6d: {  	[tilespmem:s19], [sflag:$0x1] =	stream.indirect_vreg.gather [hbm4b:s6+s2], $0x80, v3, vm0, $0xb8;
	[tilespmem:$0x10080] =	vst v63  }
0x6e: {  	_ =	swait.ge [sflag:s18], $0x10000  }
0x6f: {  	[sflag:s18] =	ssyncset.done $0x0  }
0x70: {  	s19 =	rddreg [dreg:$0x3];
	[sflag:s18] =	ssyncadd.s32 $0xFFFF0000  }
0x71: {  	[hbm4b:s19+s2] =	stream.linear.scatter [tilespmem:s0], [sflag:$0x2], $0x10000, $0x38;
	[tilespmem:$0x10080] =	vst v63  }
0x72: {  	_ =	swait.ge [sflag:s8], $0x10000  }
0x73: {  	[sflag:s8] =	ssyncset.done $0x0  }
0x74: {  	s19 =	rddreg [dreg:$0x4];
	[sflag:s8] =	ssyncadd.s32 $0xFFFF0000  }
0x75: {  	[tilespmem:s2], [sflag:$0x2] =	stream.linear.gather [hbm4b:s19+s2], $0x40, $0x38;
	[tilespmem:$0x10080] =	vst v63  }
0x76: {  	_ =	swait.ge [sflag:s8], $0x40  }
0x77: {  	[sflag:s8] =	ssyncset.done $0x0  }
0x78: {  	[sflag:s8] =	ssyncadd.s32 $0xFFFFFFC0  }
0x79: {  	v3 =	vld [tilespmem:$0x0];
	_ =	sdelay $0x4  }
0x7a: {  	v60 =	vshll.u32 v3, $0x3  }
0x7b: {  	v3 =	vand.u32 $0x7, v3;
	v4 =	vand.u32 $0xFFFFFFC0, v60  }
0x7c: {  	v3 =	vor.u32 v3, v4  }
0x7d: {  	v4 =	vperm.xlane v3, v0;
	_ =	sdelay $0x1  }
0x7e: {  	v4 =	vadd.s32 v1, v4;
	_ =	sdelay $0x4  }
0x7f: {  	[tilespmem:s0], [sflag:$0x1] =	stream.indirect_vreg.gather [hbm4b:s3+s2], $0x80, v4, vm0, $0xb8;
	[tilespmem:$0x10080] =	vst v63  }
0x80: {  	v3 =	vperm.xlane v3, v2  }
0x81: {  	[tilespmem:s20], [sflag:$0x1] =	stream.indirect_vreg.gather [hbm4b:s4+s2], $0x80, v4, vm0, $0xb8;
	[tilespmem:$0x10080] =	vst v63  }
0x82: {  	v3 =	vadd.s32 v1, v3  }
0x83: {  	[tilespmem:s21], [sflag:$0x1] =	stream.indirect_vreg.gather [hbm4b:s5+s2], $0x80, v4, vm0, $0xb8;
	[tilespmem:$0x10080] =	vst v63  }
0x84: {  	_ = 	snop  }
0x85: {  	[tilespmem:s22], [sflag:$0x1] =	stream.indirect_vreg.gather [hbm4b:s6+s2], $0x80, v4, vm0, $0xb8;
	[tilespmem:$0x10080] =	vst v63  }
0x86: {  	_ = 	snop  }
0x87: {  	[tilespmem:s23], [sflag:$0x1] =	stream.indirect_vreg.gather [hbm4b:s3+s2], $0x80, v3, vm0, $0xb8;
	[tilespmem:$0x10080] =	vst v63  }
0x88: {  	_ = 	snop  }
0x89: {  	[tilespmem:s24], [sflag:$0x1] =	stream.indirect_vreg.gather [hbm4b:s4+s2], $0x80, v3, vm0, $0xb8;
	[tilespmem:$0x10080] =	vst v63  }
0x8a: {  	_ = 	snop  }
0x8b: {  	[tilespmem:s25], [sflag:$0x1] =	stream.indirect_vreg.gather [hbm4b:s5+s2], $0x80, v3, vm0, $0xb8;
	[tilespmem:$0x10080] =	vst v63  }
0x8c: {  	_ = 	snop  }
0x8d: {  	[tilespmem:s26], [sflag:$0x1] =	stream.indirect_vreg.gather [hbm4b:s6+s2], $0x80, v3, vm0, $0xb8;
	[tilespmem:$0x10080] =	vst v63  }
0x8e: {  	v3 =	vld [tilespmem:$0x10];
	_ =	sdelay $0x4  }
0x8f: {  	v61 =	vshll.u32 v3, $0x3  }
0x90: {  	v3 =	vand.u32 $0x7, v3;
	v4 =	vand.u32 $0xFFFFFFC0, v61  }
0x91: {  	v3 =	vor.u32 v3, v4  }
0x92: {  	v4 =	vperm.xlane v3, v0;
	_ =	sdelay $0x1  }
0x93: {  	v4 =	vadd.s32 v1, v4;
	_ =	sdelay $0x4  }
0x94: {  	[tilespmem:s28], [sflag:$0x1] =	stream.indirect_vreg.gather [hbm4b:s3+s2], $0x80, v4, vm0, $0xb8;
	[tilespmem:$0x10080] =	vst v63  }
0x95: {  	v3 =	vperm.xlane v3, v2  }
0x96: {  	[tilespmem:s29], [sflag:$0x1] =	stream.indirect_vreg.gather [hbm4b:s4+s2], $0x80, v4, vm0, $0xb8;
	[tilespmem:$0x10080] =	vst v63  }
0x97: {  	v3 =	vadd.s32 v1, v3  }
0x98: {  	[tilespmem:s30], [sflag:$0x1] =	stream.indirect_vreg.gather [hbm4b:s5+s2], $0x80, v4, vm0, $0xb8;
	[tilespmem:$0x10080] =	vst v63  }
0x99: {  	_ = 	snop  }
0x9a: {  	[tilespmem:s31], [sflag:$0x1] =	stream.indirect_vreg.gather [hbm4b:s6+s2], $0x80, v4, vm0, $0xb8;
	[tilespmem:$0x10080] =	vst v63  }
0x9b: {  	s19 =	simm.s32 $0x6080  }
0x9c: {  	[tilespmem:s19], [sflag:$0x1] =	stream.indirect_vreg.gather [hbm4b:s3+s2], $0x80, v3, vm0, $0xb8;
	[tilespmem:$0x10080] =	vst v63  }
0x9d: {  	_ = 	snop  }
0x9e: {  	[tilespmem:s1], [sflag:$0x1] =	stream.indirect_vreg.gather [hbm4b:s4+s2], $0x80, v3, vm0, $0xb8;
	[tilespmem:$0x10080] =	vst v63  }
0x9f: {  	_ = 	snop  }
0xa0: {  	[tilespmem:s10], [sflag:$0x1] =	stream.indirect_vreg.gather [hbm4b:s5+s2], $0x80, v3, vm0, $0xb8;
	[tilespmem:$0x10080] =	vst v63  }
0xa1: {  	_ = 	snop  }
0xa2: {  	[tilespmem:s11], [sflag:$0x1] =	stream.indirect_vreg.gather [hbm4b:s6+s2], $0x80, v3, vm0, $0xb8;
	[tilespmem:$0x10080] =	vst v63  }
0xa3: {  	v3 =	vld [tilespmem:$0x20];
	_ =	sdelay $0x4  }
0xa4: {  	v62 =	vshll.u32 v3, $0x3  }
0xa5: {  	v3 =	vand.u32 $0x7, v3;
	v4 =	vand.u32 $0xFFFFFFC0, v62  }
0xa6: {  	v3 =	vor.u32 v3, v4  }
0xa7: {  	v4 =	vperm.xlane v3, v0;
	_ =	sdelay $0x1  }
0xa8: {  	v4 =	vadd.s32 v1, v4;
	_ =	sdelay $0x4  }
0xa9: {  	[tilespmem:s12], [sflag:$0x1] =	stream.indirect_vreg.gather [hbm4b:s3+s2], $0x80, v4, vm0, $0xb8;
	[tilespmem:$0x10080] =	vst v63  }
0xaa: {  	v3 =	vperm.xlane v3, v2  }
0xab: {  	[tilespmem:s13], [sflag:$0x1] =	stream.indirect_vreg.gather [hbm4b:s4+s2], $0x80, v4, vm0, $0xb8;
	[tilespmem:$0x10080] =	vst v63  }
0xac: {  	v3 =	vadd.s32 v1, v3  }
0xad: {  	[tilespmem:s14], [sflag:$0x1] =	stream.indirect_vreg.gather [hbm4b:s5+s2], $0x80, v4, vm0, $0xb8;
	[tilespmem:$0x10080] =	vst v63  }
0xae: {  	_ = 	snop  }
0xaf: {  	[tilespmem:s15], [sflag:$0x1] =	stream.indirect_vreg.gather [hbm4b:s6+s2], $0x80, v4, vm0, $0xb8;
	[tilespmem:$0x10080] =	vst v63  }
0xb0: {  	_ = 	snop  }
0xb1: {  	[tilespmem:s16], [sflag:$0x1] =	stream.indirect_vreg.gather [hbm4b:s3+s2], $0x80, v3, vm0, $0xb8;
	[tilespmem:$0x10080] =	vst v63  }
0xb2: {  	_ = 	snop  }
0xb3: {  	[tilespmem:s17], [sflag:$0x1] =	stream.indirect_vreg.gather [hbm4b:s4+s2], $0x80, v3, vm0, $0xb8;
	[tilespmem:$0x10080] =	vst v63  }
0xb4: {  	_ = 	snop  }
0xb5: {  	[tilespmem:s9], [sflag:$0x1] =	stream.indirect_vreg.gather [hbm4b:s5+s2], $0x80, v3, vm0, $0xb8;
	[tilespmem:$0x10080] =	vst v63  }
0xb6: {  	s19 =	simm.s32 $0xB880  }
0xb7: {  	[tilespmem:s19], [sflag:$0x1] =	stream.indirect_vreg.gather [hbm4b:s6+s2], $0x80, v3, vm0, $0xb8;
	[tilespmem:$0x10080] =	vst v63  }
0xb8: {  	v3 =	vld [tilespmem:$0x30];
	_ =	sdelay $0x4  }
0xb9: {  	v63 =	vshll.u32 v3, $0x3  }
0xba: {  	v3 =	vand.u32 $0x7, v3;
	v4 =	vand.u32 $0xFFFFFFC0, v63  }
0xbb: {  	v3 =	vor.u32 v3, v4  }
0xbc: {  	v4 =	vperm.xlane v3, v0;
	_ =	sdelay $0x1  }
0xbd: {  	v4 =	vadd.s32 v1, v4;
	_ =	sdelay $0x3  }
0xbe: {  	s19 =	simm.s32 $0xC080  }
0xbf: {  	[tilespmem:s19], [sflag:$0x1] =	stream.indirect_vreg.gather [hbm4b:s3+s2], $0x80, v4, vm0, $0xb8;
	[tilespmem:$0x10080] =	vst v63  }
0xc0: {  	v3 =	vperm.xlane v3, v2;
	s19 =	simm.s32 $0xC880  }
0xc1: {  	[tilespmem:s19], [sflag:$0x1] =	stream.indirect_vreg.gather [hbm4b:s4+s2], $0x80, v4, vm0, $0xb8;
	[tilespmem:$0x10080] =	vst v63  }
0xc2: {  	v3 =	vadd.s32 v1, v3;
	s19 =	simm.s32 $0xD080  }
0xc3: {  	[tilespmem:s19], [sflag:$0x1] =	stream.indirect_vreg.gather [hbm4b:s5+s2], $0x80, v4, vm0, $0xb8;
	[tilespmem:$0x10080] =	vst v63  }
0xc4: {  	s19 =	simm.s32 $0xD880  }
0xc5: {  	[tilespmem:s19], [sflag:$0x1] =	stream.indirect_vreg.gather [hbm4b:s6+s2], $0x80, v4, vm0, $0xb8;
	[tilespmem:$0x10080] =	vst v63  }
0xc6: {  	s19 =	simm.s32 $0xE080  }
0xc7: {  	[tilespmem:s19], [sflag:$0x1] =	stream.indirect_vreg.gather [hbm4b:s3+s2], $0x80, v3, vm0, $0xb8;
	[tilespmem:$0x10080] =	vst v63  }
0xc8: {  	s19 =	simm.s32 $0xE880  }
0xc9: {  	[tilespmem:s19], [sflag:$0x1] =	stream.indirect_vreg.gather [hbm4b:s4+s2], $0x80, v3, vm0, $0xb8;
	[tilespmem:$0x10080] =	vst v63  }
0xca: {  	s19 =	simm.s32 $0xF080  }
0xcb: {  	[tilespmem:s19], [sflag:$0x1] =	stream.indirect_vreg.gather [hbm4b:s5+s2], $0x80, v3, vm0, $0xb8;
	[tilespmem:$0x10080] =	vst v63  }
0xcc: {  	s19 =	simm.s32 $0xF880  }
0xcd: {  	[tilespmem:s19], [sflag:$0x1] =	stream.indirect_vreg.gather [hbm4b:s6+s2], $0x80, v3, vm0, $0xb8;
	[tilespmem:$0x10080] =	vst v63  }
0xce: {  	_ =	swait.ge [sflag:s18], $0x10000  }
0xcf: {  	p0 =	sne.s32 s7, $0x1;
	[sflag:s18] =	ssyncset.done $0x0  }
.Ltmp0:
0xd0: {  	s1 =	rddreg [dreg:$0x5];
	[sflag:s18] =	ssyncadd.s32 $0xFFFF0000;
	(pc) =	sbr.rel @p0 .LBB2_1-.Ltmp0, $4  }
0xd1: {  	[hbm4b:s1+s2] =	stream.linear.scatter [tilespmem:s0], [sflag:$0x2], $0x10000, $0x38;
	[tilespmem:$0x10080] =	vst v63  }
0xd2: {  	_ =	swait.ge [sflag:s8], $0x10000  }
0xd3: {  	[sflag:s8] =	ssyncset.done $0x0  }
0xd4: {  	s7 =	sadd.s32 $0xFFFFFFFF, s7;
	[sflag:s8] =	ssyncadd.s32 $0xFFFF0000  }
0xd5: {  	_ =	sfence.sel $0x180000  }
0xd6: {  	[bflag:$0x0] =	sbarrier.arrive $0xFFFF  }
0xd7: {  	_ =	strace $0x9000004A  }
0xd8: {  	s0 =	stileid.u32;
	[bflag:$0x2] =	sbarrier.arrive $0xFFFF  }
0xd9: {  	p0 =	sne.s32 s0, $0x0;
	s0 =	rddreg [dreg:$0x1]  }
0xda: {  	s0 =	sadd.s32 @!p0 $0x100000, s0  }
0xdb: {  	[sflag:s0] =	ssyncadd.tile.s32 @!p0 $0x1;
	_ =	shalt  }
.Lfunc_end2:
_tile_overlayer_lowered:
.L_overlay_start_2:
0xdc: {  	(tag) =	ssettag $0x2  }
0xdd: {  	s0 =	rddreg [dreg:$0x0];
	s2 =	stileid.u32  }
0xde: {  	s1 =	rddreg [dreg:$0x1];
	p0 =	sne.s32 s2, $0x0  }
0xdf: {  	s3 =	rddreg [dreg:$0x2];
	[bflag:$0x3] =	sbarrier.arrive $0xFFFF;
	s2 =	simm.s32 @!p0 $0x1C02  }
0xe0: {  	[timem:s3], [sflag:s2] =	dma.local @!p0 [hbm:s0], s1  }
0xe1: {  	s0 =	simm.s32 @!p0 $0x2  }
0xe2: {  	_ =	swait.ge @!p0 [sflag:s0], s1  }
0xe3: {  	s1 =	ssub.s32 @!p0 $0x0, s1;
	[sflag:s0] =	ssyncset.done @!p0 $0x0  }
0xe4: {  	[sflag:s0] =	ssyncadd.s32 @!p0 s1  }
0xe5: {  	[bflag:$0x3] =	sbarrier.arrive $0xFFFF  }
0xe6: {  	_ =	shalt  }

// kernel: kernel.7.cloned.1.call-start
scs
__scs_entry_jumppad:
0x0: {  	(pc) =	sbr.rel $0x88, $3  }
0x1: {  	(tag) =	ssettag $0x0;
	lr =	simm.s32 $0x1  }
0x2: {  	[smem:$0x3F9A] =	sst lr;
	_ =	strace $0xD0000000  }
0x3: {  	_ = 	snop  }
0x4: {  	_ = 	snop  }
0x5: {  	_ = 	snop  }
0x6: {  	_ = 	snop  }
0x7: {  	_ = 	snop  }
__scs_overlays_trampoline_lowered:
0x8: {  	[smem:$0x3FA9] =	sst s0  }
0x9: {  	[smem:$0x3FAA] =	sst s1  }
0xa: {  	[smem:$0x3FAB] =	sst s2  }
0xb: {  	[smem:$0x3FAC] =	sst s3  }
0xc: {  	[smem:$0x3FAD] =	sst s4  }
0xd: {  	[smem:$0x3FAE] =	sst s5  }
0xe: {  	[smem:$0x3FAF] =	sst s6  }
0xf: {  	[smem:$0x3FB0] =	sst s7  }
0x10: {  	[smem:$0x3FB1] =	sst s8  }
0x11: {  	[smem:$0x3FB2] =	sst s9;
	s0 =	simm.s32 @!p0 $0x0  }
0x12: {  	s1 =	sld [smem:$0x3F98];
	s0 =	simm.s32 @p0 $0x1  }
0x13: {  	[smem:$0x3FB3] =	sst s0;
	s0 =	simm.s32 @!p1 $0x0  }
0x14: {  	s2 =	sld [smem:$0x3F97];
	s0 =	simm.s32 @p1 $0x1  }
0x15: {  	[smem:$0x3FB4] =	sst s0;
	s0 =	simm.s32 @!p2 $0x0  }
0x16: {  	s3 =	sld [smem:$0x3FDB];
	s0 =	simm.s32 @p2 $0x1  }
0x17: {  	s4 =	simm.s32 $0x1BF5;
	[smem:$0x3FB6] =	sst s0  }
0x18: {  	s0 =	sld [smem:$0x3F99];
	_ =	swait.ge [sflag:s4], $0x0  }
0x19: {  	s7 =	sld [smem:$0x3F9A]  }
0x1a: {  	s8 =	sadd.s32 $0xFFFFE003, lr  }
0x1b: {  	s9 =	sadd.s32 $0xFFFFFEF7, lr;
	s5 =	simm.s32 $0xFFFFFFFF;
	p2 =	slt.u32 s8, $0xFFFFF086  }
0x1c: {  	p1 =	slt.u32 s9, $0xF7A;
	s5 =	simm.s32 @!p2 $0x0  }
0x1d: {  	s5 =	simm.s32 @p1 $0x1;
	p0 =	seq.s32 s7, s2  }
0x1e: {  	s7 =	smul.u32 @!p0 $0xF7A, s2;
	p2 =	seq.s32 @!p0 s5, $0x0  }
0x1f: {  	s9 =	smul.u32 $0xF7A, s1;
	s8 =	simm.s32 @!p0 $0x1BF5;
	p2 =	por !p2, p0  }
0x20: {  	[sflag:s8] =	ssyncset.s32 @!p0 $0xFFFFF086;
	s6 =	sadd.s32 @!p0 s3, s7;
	s7 =	simm.s32 @!p0 $0x108  }
0x21: {  	s3 =	sadd.s32 s3, s9;
	s6 =	sadd.s32 @!p0 $0x88, s6;
	s7 =	simm.s32 @p2 $0x1082  }
0x22: {  	[simem:s7], [sflag:s8] =	dma.local @!p0 [hbm:s6], $0xF7A  }
0x23: {  	s9 =	sor.u32 $0xD0000000, s2;
	s6 =	simm.s32 $0x108;
	_ =	swait.ge @!p0 [sflag:s8], $0x0  }
0x24: {  	s3 =	sadd.s32 $0x88, s3;
	s6 =	simm.s32 @!p1 $0x1082;
	[sflag:s4] =	ssyncset.s32 $0xFFFFF086  }
0x25: {  	[simem:s6], [sflag:s4] =	dma.local [hbm:s3], $0xF7A  }
0x26: {  	[smem:$0x3F9A] =	sst s1;
	(tag) =	ssettag s2;
	_ =	strace s9  }
0x27: {  	s1 =	sld [smem:$0x3FAA]  }
0x28: {  	s2 =	sld [smem:$0x3FAB]  }
0x29: {  	s4 =	sld [smem:$0x3FAD]  }
0x2a: {  	p0 =	seq.s32 s5, $0x0;
	s5 =	sld [smem:$0x3FAE]  }
0x2b: {  	s6 =	sld [smem:$0x3FAF]  }
0x2c: {  	s7 =	sld [smem:$0x3FB0]  }
0x2d: {  	s3 =	simm.s32 $0x108;
	s8 =	sld [smem:$0x3FB1]  }
0x2e: {  	s3 =	simm.s32 @!p0 $0x1082;
	s9 =	sld [smem:$0x3FB2]  }
0x2f: {  	lr =	sadd.s32 s0, s3;
	s0 =	sld [smem:$0x3FA9]  }
0x30: {  	s3 =	sld [smem:$0x3FAC]  }
0x31: {  	[smem:$0x3FB5] =	sst s10  }
0x32: {  	s10 =	sld [smem:$0x3FB3];
	_ =	sdelay $0x3  }
0x33: {  	p0 =	seq.s32 s10, $0x1;
	s10 =	sld [smem:$0x3FB5];
	_ =	sdelay $0x3  }
0x34: {  	[smem:$0x3FB5] =	sst s10  }
0x35: {  	s10 =	sld [smem:$0x3FB4];
	_ =	sdelay $0x3  }
0x36: {  	p1 =	seq.s32 s10, $0x1;
	s10 =	sld [smem:$0x3FB5];
	_ =	sdelay $0x3  }
0x37: {  	[smem:$0x3FB5] =	sst s10  }
0x38: {  	s10 =	sld [smem:$0x3FB6]  }
0x39: {  	_ = 	snop;
	(pc) =	sbr.ind lr, $3  }
0x3a: {  	_ = 	snop  }
0x3b: {  	_ = 	snop  }
0x3c: {  	p2 =	seq.s32 s10, $0x1;
	s10 =	sld [smem:$0x3FB5]  }
0x3d: {  	_ =	shalt  }
0x3e: {  	_ =	shalt  }
0x3f: {  	_ =	shalt  }
0x40: {  	_ =	shalt  }
0x41: {  	_ =	shalt  }
0x42: {  	_ =	shalt  }
0x43: {  	_ =	shalt  }
0x44: {  	_ =	shalt  }
0x45: {  	_ =	shalt  }
0x46: {  	_ =	shalt  }
0x47: {  	_ =	shalt  }
0x48: {  	_ =	shalt  }
0x49: {  	_ =	shalt  }
0x4a: {  	_ =	shalt  }
0x4b: {  	_ =	shalt  }
0x4c: {  	_ =	shalt  }
0x4d: {  	_ =	shalt  }
0x4e: {  	_ =	shalt  }
0x4f: {  	_ =	shalt  }
0x50: {  	_ =	shalt  }
0x51: {  	_ =	shalt  }
0x52: {  	_ =	shalt  }
0x53: {  	_ =	shalt  }
0x54: {  	_ =	shalt  }
0x55: {  	_ =	shalt  }
0x56: {  	_ =	shalt  }
0x57: {  	_ =	shalt  }
0x58: {  	_ =	shalt  }
0x59: {  	_ =	shalt  }
0x5a: {  	_ =	shalt  }
0x5b: {  	_ =	shalt  }
0x5c: {  	_ =	shalt  }
0x5d: {  	_ =	shalt  }
0x5e: {  	_ =	shalt  }
0x5f: {  	_ =	shalt  }
0x60: {  	_ =	shalt  }
0x61: {  	_ =	shalt  }
0x62: {  	_ =	shalt  }
0x63: {  	_ =	shalt  }
0x64: {  	_ =	shalt  }
0x65: {  	_ =	shalt  }
0x66: {  	_ =	shalt  }
0x67: {  	_ =	shalt  }
0x68: {  	_ =	shalt  }
0x69: {  	_ =	shalt  }
0x6a: {  	_ =	shalt  }
0x6b: {  	_ =	shalt  }
0x6c: {  	_ =	shalt  }
0x6d: {  	_ =	shalt  }
0x6e: {  	_ =	shalt  }
0x6f: {  	_ =	shalt  }
0x70: {  	_ =	shalt  }
0x71: {  	_ =	shalt  }
0x72: {  	_ =	shalt  }
0x73: {  	_ =	shalt  }
0x74: {  	_ =	shalt  }
0x75: {  	_ =	shalt  }
0x76: {  	_ =	shalt  }
0x77: {  	_ =	shalt  }
0x78: {  	_ =	shalt  }
0x79: {  	_ =	shalt  }
0x7a: {  	_ =	shalt  }
0x7b: {  	_ =	shalt  }
0x7c: {  	_ =	shalt  }
0x7d: {  	_ =	shalt  }
0x7e: {  	_ =	shalt  }
0x7f: {  	_ =	shalt  }
0x80: {  	_ =	shalt  }
0x81: {  	_ =	shalt  }
0x82: {  	_ =	shalt  }
0x83: {  	_ =	shalt  }
0x84: {  	_ =	shalt  }
0x85: {  	_ =	shalt  }
0x86: {  	_ =	shalt  }
0x87: {  	_ =	shalt  }
.Lfunc_end0:
.L_simem_size_0:
called_computation_lowered:
.L_overlay_start_0:
0x88: {  	s2 =	sld [smem:$0x3FD9]  }
0x89: {  	s3 =	sld [smem:$0x3FFE];
	_ =	sdelay $0x1  }
0x8a: {  	s1 =	srdreg.scid  }
0x8b: {  	s0 =	sand.u32 $0x1, s1  }
0x8c: {  	s17 =	sshll.u32 s0, $0xA;
	s2 =	sadd.s32 s3, s2  }
0x8d: {  	s2 =	sadd.s32 s2, s17  }
0x8e: {  	[smem:$0x3FC1] =	sst s2  }
0x8f: {  	_ = 	snop  }
0x90: {  	s2 =	sld [smem:$0x3FD0];
	(tm) =	ssettm $0x1  }
0x91: {  	s18 =	sld [smem:$0x3FFB];
	_ =	sdelay $0x3  }
0x92: {  	_ =	strace s18  }
0x93: {  	s3 =	sld [smem:$0x3FFC];
	_ =	sdelay $0x3  }
0x94: {  	_ =	strace s3  }
0x95: {  	s3 =	sld [smem:$0x3FFD];
	_ =	sdelay $0x3  }
0x96: {  	_ =	strace s3  }
0x97: {  	_ =	strace $0x8FFFFFFF  }
0x98: {  	s19 =	sld [smem:$0x3FDB];
	_ =	sdelay $0x1  }
0x99: {  	s4 =	simm.s32 $_scs_section_size  }
0x9a: {  	s5 =	simm.s32 $_size__tile_overlayer_lowered;
	s6 =	simm.s32 $_tile_overlayer_lowered  }
0x9b: {  	s22 =	simm.s32 $0x1BFF;
	s21 =	sshll.u32 s6, $0x1;
	s3 =	sadd.s32 s4, s19  }
0x9c: {  	s7 =	simm.s32 $0x0;
	s20 =	sshll.u32 s5, $0x1;
	s5 =	sadd.s32 s21, s3  }
0x9d: {  	[timem:s7], [sflag:s22] =	dma.local [hbm:s5], s20  }
0x9e: {  	_ =	swait.ge [sflag:s22], s20  }
0x9f: {  	s4 =	ssub.s32 $0x0, s20;
	[sflag:s22] =	ssyncset.done $0x0  }
0xa0: {  	[sflag:s22] =	ssyncadd.s32 s4;
	_ =	sdelay $0x1  }
0xa1: {  	s23 =	simm.s32 $0x1B8B  }
0xa2: {  	_ =	swait.ge [sflag:s23], $0x1  }
0xa3: {  	[sflag:s23] =	ssyncset.done $0x0  }
0xa4: {  	s25 =	simm.s32 $0x1B8E;
	s24 =	sld [smem:$0x3FFE];
	[sflag:s23] =	ssyncadd.s32 $0xFFFFFFFF  }
0xa5: {  	s26 =	simm.s32 $execute0_lowered;
	[smem:$0x3FD2] =	sst s25  }
0xa6: {  	s5 =	sshll.u32 s26, $0x1;
	_ =	strace $0x80000046;
	[dreg:$0x1] =	wrdreg $0xFFFFFFFF  }
0xa7: {  	s28 =	simm.s32 $_size_execute0_lowered;
	s3 =	sadd.s32 s3, s5;
	[dreg:$0x0] =	wrdreg $0x0  }
0xa8: {  	s5 =	sshll.u32 s28, $0x1;
	[dreg:$0x2] =	wrdreg s3  }
0xa9: {  	[dreg:$0x3] =	wrdreg s5  }
0xaa: {  	[dreg:$0x4] =	wrdreg $0xC0  }
0xab: {  	_ =	task [dreg:s7], $0x5FFFF  }
0xac: {  	[dreg:$0x1] =	wrdreg $0xFFFFFFFF  }
0xad: {  	[dreg:$0x0] =	wrdreg $0x60  }
0xae: {  	[dreg:$0x2] =	wrdreg s2  }
0xaf: {  	[dreg:$0x3] =	wrdreg s24  }
0xb0: {  	[dreg:$0x4] =	wrdreg $0x9  }
0xb1: {  	_ =	task.clear_ibuf [dreg:s7], $0x5FFFF;
	_ =	strace $0x90000046  }
0xb2: {  	s29 =	simm.s32 $0x9;
	_ =	strace $0x80000048  }
0xb3: {  	_ =	swait.ge [sflag:s29], $0x1  }
0xb4: {  	[sflag:s29] =	ssyncadd.s32 $0xFFFFFFFF  }
0xb5: {  	_ =	strace $0x90000048  }
0xb6: {  	_ =	sfence  }
0xb7: {  	s30 =	sld [smem:$0x0];
	_ =	sdelay $0x2  }
0xb8: {  	s31 =	sshll.u32 s1, $0xD;
	s1 =	sshrl.u32 s1, $0x2  }
0xb9: {  	s3 =	sand.u32 $0x4000, s31;
	s1 =	sadd.s32 s1, s30  }
0xba: {  	s0 =	sor.u32 s3, s0;
	s1 =	sshll.u32 s1, $0x11  }
0xbb: {  	s0 =	sor.u32 s1, s0  }
0xbc: {  	s0 =	sadd.s32 $0x8F2B, s0  }
0xbd: {  	[sflag:s0] =	ssyncadd.remote.s32 $0x1  }
0xbe: {  	_ =	sfence.sel $0xFFFF  }
0xbf: {  	[dreg:$0x0] =	wrdreg $0xFFFFFFFF;
	(pc) =	sbr.abs _section_cstart, $3  }
0xc0: {  	[dreg:$0x1] =	wrdreg $0xFFFFFFFF  }
0xc1: {  	_ =	task.clear_ibuf [dreg:s7], $0x2FFFF;
	_ =	strace $0x9FFFFFFF  }
0xc2: {  	(tm) =	ssettm $0x7FFFFFFF  }
0xc3: {  	_ =	shalt  }
tec
execute0_lowered:
.L_overlay_start_1:
0x0: {  	(tag) =	ssettag $0x1  }
0x1: {  	s0 =	rddreg [dreg:$0x0]  }
0x2: {  	s1 =	rddreg [dreg:$0x1];
	s2 =	simm.s32 $0x0;
	s3 =	srdreg.scid  }
0x3: {  	s4 =	stileid.u32;
	s18 =	simm.s32 $0x1;
	s20 =	simm.s32 $0x880  }
0x4: {  	s21 =	simm.s32 $0x1080;
	s28 =	simm.s32 $0x4080;
	s29 =	simm.s32 $0x4880  }
0x5: {  	s30 =	simm.s32 $0x5080;
	s31 =	simm.s32 $0x5880;
	s10 =	simm.s32 $0x7080  }
0x6: {  	s11 =	simm.s32 $0x7880;
	s12 =	simm.s32 $0x8080;
	s13 =	simm.s32 $0x8880  }
0x7: {  	s14 =	simm.s32 $0x9080;
	s15 =	simm.s32 $0x9880;
	s16 =	simm.s32 $0xA080  }
0x8: {  	s17 =	simm.s32 $0xA880;
	[smem:$0x7FF] =	sst s2;
	s3 =	sand.u32 $0x1, s3  }
0x9: {  	s4 =	sshll.u32 s4, $0x8;
	s6 =	sadd.s32 $0x21000, s1;
	_ =	strace $0x80000047  }
0xa: {  	s5 =	sshll.u32 s3, $0x7;
	s7 =	ssub.s32 $0x2, s3;
	s3 =	sadd.s32 $0x21200, s1  }
0xb: {  	s4 =	sor.u32 s5, s4;
	s22 =	sshrl.u32 s7, $0x1;
	s5 =	sadd.s32 $0x21400, s1  }
0xc: {  	s8 =	sshrl.u32 s4, $0x3;
	s7 =	ssub.s32 s7, s22;
	s24 =	sshll.u32 s4, $0x7  }
0xd: {  	s26 =	sor.u32 $0x40, s4;
	s4 =	sadd.s32 $0x21300, s1;
	s22 =	simm.s32 $0x1880  }
0xe: {  	s23 =	sadd.s32 s6, s8;
	s25 =	sadd.s32 s0, s24;
	s9 =	sshrl.u32 s26, $0x3  }
0xf: {  	s8 =	sshll.u32 s26, $0x7;
	s7 =	smax.u32 s7, $0x1;
	[dreg:$0x3] =	wrdreg s23  }
0x10: {  	s24 =	simm.s32 $0x2880;
	s26 =	simm.s32 $0x3880;
	[dreg:$0x4] =	wrdreg s25  }
0x11: {  	v2 =	vlaneseq.u32;
	s9 =	sadd.s32 s6, s9;
	s6 =	sadd.s32 $0x21500, s1;
	s0 =	sadd.s32 s0, s8  }
0x12: {  	vm0 =	vmmov $0xffff;
	v1 =	vshrl.u32 v2, $0x3;
	s8 =	simm.s32 $0x2;
	s23 =	simm.s32 $0x2080;
	[dreg:$0x5] =	wrdreg s9  }
0x13: {  	v0 =	vand.u32 $0x7, v2;
	v2 =	vor.u32 $0x8, v2;
	v1 =	vmul.u32 $0x8, v1;
	s25 =	simm.s32 $0x3080;
	[dreg:$0x6] =	wrdreg s0;
	s9 =	simm.s32 $0xB080  }
.LBB2_1:
0x14: {  	s19 =	rddreg [dreg:$0x3]  }
0x15: {  	[tilespmem:s2], [sflag:$0x2] =	stream.linear.gather [hbm4b:s19+s2], $0x40, $0x38;
	[tilespmem:$0x10080] =	vst v63  }
0x16: {  	_ =	swait.ge [sflag:s8], $0x40  }
0x17: {  	[sflag:s8] =	ssyncset.done $0x0  }
0x18: {  	s0 =	simm.s32 $0x80;
	s1 =	rddreg [dreg:$0x4];
	[sflag:s8] =	ssyncadd.s32 $0xFFFFFFC0  }
0x19: {  	[tilespmem:s0], [sflag:$0x2] =	stream.linear.gather [hbm4b:s1+s2], $0x10000, $0x38;
	[tilespmem:$0x10080] =	vst v63  }
0x1a: {  	_ =	swait.ge [sflag:s8], $0x10000  }
0x1b: {  	[sflag:s8] =	ssyncset.done $0x0  }
0x1c: {  	[sflag:s8] =	ssyncadd.s32 $0xFFFF0000  }
0x1d: {  	v3 =	vld [tilespmem:$0x0];
	_ =	sdelay $0x4  }
0x1e: {  	v4 =	vshll.u32 v3, $0x3  }
0x1f: {  	v3 =	vand.u32 $0x7, v3;
	v4 =	vand.u32 $0xFFFFFFC0, v4  }
0x20: {  	v3 =	vor.u32 v3, v4  }
0x21: {  	v4 =	vperm.xlane v3, v0;
	_ =	sdelay $0x1  }
0x22: {  	v4 =	vadd.s32 v1, v4;
	_ =	sdelay $0x4  }
0x23: {  	[hbm4b:s3+s2] =	stream.indirect_vreg.scatter [tilespmem:s0], [sflag:$0x1], $0x80, v4, vm0, $0xb8;
	[tilespmem:$0x10080] =	vst v63  }
0x24: {  	v3 =	vperm.xlane v3, v2  }
0x25: {  	[hbm4b:s4+s2] =	stream.indirect_vreg.scatter [tilespmem:s20], [sflag:$0x1], $0x80, v4, vm0, $0xb8;
	[tilespmem:$0x10080] =	vst v63  }
0x26: {  	v3 =	vadd.s32 v1, v3  }
0x27: {  	[hbm4b:s5+s2] =	stream.indirect_vreg.scatter [tilespmem:s21], [sflag:$0x1], $0x80, v4, vm0, $0xb8;
	[tilespmem:$0x10080] =	vst v63  }
0x28: {  	_ = 	snop  }
0x29: {  	[hbm4b:s6+s2] =	stream.indirect_vreg.scatter [tilespmem:s22], [sflag:$0x1], $0x80, v4, vm0, $0xb8;
	[tilespmem:$0x10080] =	vst v63  }
0x2a: {  	_ = 	snop  }
0x2b: {  	[hbm4b:s3+s2] =	stream.indirect_vreg.scatter [tilespmem:s23], [sflag:$0x1], $0x80, v3, vm0, $0xb8;
	[tilespmem:$0x10080] =	vst v63  }
0x2c: {  	_ = 	snop  }
0x2d: {  	[hbm4b:s4+s2] =	stream.indirect_vreg.scatter [tilespmem:s24], [sflag:$0x1], $0x80, v3, vm0, $0xb8;
	[tilespmem:$0x10080] =	vst v63  }
0x2e: {  	_ = 	snop  }
0x2f: {  	[hbm4b:s5+s2] =	stream.indirect_vreg.scatter [tilespmem:s25], [sflag:$0x1], $0x80, v3, vm0, $0xb8;
	[tilespmem:$0x10080] =	vst v63  }
0x30: {  	_ = 	snop  }
0x31: {  	[hbm4b:s6+s2] =	stream.indirect_vreg.scatter [tilespmem:s26], [sflag:$0x1], $0x80, v3, vm0, $0xb8;
	[tilespmem:$0x10080] =	vst v63  }
0x32: {  	v3 =	vld [tilespmem:$0x10];
	_ =	sdelay $0x4  }
0x33: {  	v57 =	vshll.u32 v3, $0x3  }
0x34: {  	v3 =	vand.u32 $0x7, v3;
	v4 =	vand.u32 $0xFFFFFFC0, v57  }
0x35: {  	v3 =	vor.u32 v3, v4  }
0x36: {  	v4 =	vperm.xlane v3, v0;
	_ =	sdelay $0x1  }
0x37: {  	v4 =	vadd.s32 v1, v4;
	_ =	sdelay $0x4  }
0x38: {  	[hbm4b:s3+s2] =	stream.indirect_vreg.scatter [tilespmem:s28], [sflag:$0x1], $0x80, v4, vm0, $0xb8;
	[tilespmem:$0x10080] =	vst v63  }
0x39: {  	v3 =	vperm.xlane v3, v2  }
0x3a: {  	[hbm4b:s4+s2] =	stream.indirect_vreg.scatter [tilespmem:s29], [sflag:$0x1], $0x80, v4, vm0, $0xb8;
	[tilespmem:$0x10080] =	vst v63  }
0x3b: {  	v3 =	vadd.s32 v1, v3  }
0x3c: {  	[hbm4b:s5+s2] =	stream.indirect_vreg.scatter [tilespmem:s30], [sflag:$0x1], $0x80, v4, vm0, $0xb8;
	[tilespmem:$0x10080] =	vst v63  }
0x3d: {  	_ = 	snop  }
0x3e: {  	[hbm4b:s6+s2] =	stream.indirect_vreg.scatter [tilespmem:s31], [sflag:$0x1], $0x80, v4, vm0, $0xb8;
	[tilespmem:$0x10080] =	vst v63  }
0x3f: {  	s1 =	simm.s32 $0x6080  }
0x40: {  	[hbm4b:s3+s2] =	stream.indirect_vreg.scatter [tilespmem:s1], [sflag:$0x1], $0x80, v3, vm0, $0xb8;
	[tilespmem:$0x10080] =	vst v63  }
0x41: {  	s1 =	simm.s32 $0x6880  }
0x42: {  	[hbm4b:s4+s2] =	stream.indirect_vreg.scatter [tilespmem:s1], [sflag:$0x1], $0x80, v3, vm0, $0xb8;
	[tilespmem:$0x10080] =	vst v63  }
0x43: {  	_ = 	snop  }
0x44: {  	[hbm4b:s5+s2] =	stream.indirect_vreg.scatter [tilespmem:s10], [sflag:$0x1], $0x80, v3, vm0, $0xb8;
	[tilespmem:$0x10080] =	vst v63  }
0x45: {  	_ = 	snop  }
0x46: {  	[hbm4b:s6+s2] =	stream.indirect_vreg.scatter [tilespmem:s11], [sflag:$0x1], $0x80, v3, vm0, $0xb8;
	[tilespmem:$0x10080] =	vst v63  }
0x47: {  	v3 =	vld [tilespmem:$0x20];
	_ =	sdelay $0x4  }
0x48: {  	v58 =	vshll.u32 v3, $0x3  }
0x49: {  	v3 =	vand.u32 $0x7, v3;
	v4 =	vand.u32 $0xFFFFFFC0, v58  }
0x4a: {  	v3 =	vor.u32 v3, v4  }
0x4b: {  	v4 =	vperm.xlane v3, v0;
	_ =	sdelay $0x1  }
0x4c: {  	v4 =	vadd.s32 v1, v4;
	_ =	sdelay $0x4  }
0x4d: {  	[hbm4b:s3+s2] =	stream.indirect_vreg.scatter [tilespmem:s12], [sflag:$0x1], $0x80, v4, vm0, $0xb8;
	[tilespmem:$0x10080] =	vst v63  }
0x4e: {  	v3 =	vperm.xlane v3, v2  }
0x4f: {  	[hbm4b:s4+s2] =	stream.indirect_vreg.scatter [tilespmem:s13], [sflag:$0x1], $0x80, v4, vm0, $0xb8;
	[tilespmem:$0x10080] =	vst v63  }
0x50: {  	v3 =	vadd.s32 v1, v3  }
0x51: {  	[hbm4b:s5+s2] =	stream.indirect_vreg.scatter [tilespmem:s14], [sflag:$0x1], $0x80, v4, vm0, $0xb8;
	[tilespmem:$0x10080] =	vst v63  }
0x52: {  	_ = 	snop  }
0x53: {  	[hbm4b:s6+s2] =	stream.indirect_vreg.scatter [tilespmem:s15], [sflag:$0x1], $0x80, v4, vm0, $0xb8;
	[tilespmem:$0x10080] =	vst v63  }
0x54: {  	_ = 	snop  }
0x55: {  	[hbm4b:s3+s2] =	stream.indirect_vreg.scatter [tilespmem:s16], [sflag:$0x1], $0x80, v3, vm0, $0xb8;
	[tilespmem:$0x10080] =	vst v63  }
0x56: {  	_ = 	snop  }
0x57: {  	[hbm4b:s4+s2] =	stream.indirect_vreg.scatter [tilespmem:s17], [sflag:$0x1], $0x80, v3, vm0, $0xb8;
	[tilespmem:$0x10080] =	vst v63  }
0x58: {  	_ = 	snop  }
0x59: {  	[hbm4b:s5+s2] =	stream.indirect_vreg.scatter [tilespmem:s9], [sflag:$0x1], $0x80, v3, vm0, $0xb8;
	[tilespmem:$0x10080] =	vst v63  }
0x5a: {  	s19 =	simm.s32 $0xB880  }
0x5b: {  	[hbm4b:s6+s2] =	stream.indirect_vreg.scatter [tilespmem:s19], [sflag:$0x1], $0x80, v3, vm0, $0xb8;
	[tilespmem:$0x10080] =	vst v63  }
0x5c: {  	v3 =	vld [tilespmem:$0x30];
	_ =	sdelay $0x4  }
0x5d: {  	v59 =	vshll.u32 v3, $0x3  }
0x5e: {  	v3 =	vand.u32 $0x7, v3;
	v4 =	vand.u32 $0xFFFFFFC0, v59  }
0x5f: {  	v3 =	vor.u32 v3, v4  }
0x60: {  	v4 =	vperm.xlane v3, v0;
	_ =	sdelay $0x1  }
0x61: {  	v4 =	vadd.s32 v1, v4;
	_ =	sdelay $0x3  }
0x62: {  	s19 =	simm.s32 $0xC080  }
0x63: {  	[hbm4b:s3+s2] =	stream.indirect_vreg.scatter [tilespmem:s19], [sflag:$0x1], $0x80, v4, vm0, $0xb8;
	[tilespmem:$0x10080] =	vst v63  }
0x64: {  	v3 =	vperm.xlane v3, v2;
	s19 =	simm.s32 $0xC880  }
0x65: {  	[hbm4b:s4+s2] =	stream.indirect_vreg.scatter [tilespmem:s19], [sflag:$0x1], $0x80, v4, vm0, $0xb8;
	[tilespmem:$0x10080] =	vst v63  }
0x66: {  	v3 =	vadd.s32 v1, v3;
	s19 =	simm.s32 $0xD080  }
0x67: {  	[hbm4b:s5+s2] =	stream.indirect_vreg.scatter [tilespmem:s19], [sflag:$0x1], $0x80, v4, vm0, $0xb8;
	[tilespmem:$0x10080] =	vst v63  }
0x68: {  	s19 =	simm.s32 $0xD880  }
0x69: {  	[hbm4b:s6+s2] =	stream.indirect_vreg.scatter [tilespmem:s19], [sflag:$0x1], $0x80, v4, vm0, $0xb8;
	[tilespmem:$0x10080] =	vst v63  }
0x6a: {  	s19 =	simm.s32 $0xE080  }
0x6b: {  	[hbm4b:s3+s2] =	stream.indirect_vreg.scatter [tilespmem:s19], [sflag:$0x1], $0x80, v3, vm0, $0xb8;
	[tilespmem:$0x10080] =	vst v63  }
0x6c: {  	s19 =	simm.s32 $0xE880  }
0x6d: {  	[hbm4b:s4+s2] =	stream.indirect_vreg.scatter [tilespmem:s19], [sflag:$0x1], $0x80, v3, vm0, $0xb8;
	[tilespmem:$0x10080] =	vst v63  }
0x6e: {  	s19 =	simm.s32 $0xF080  }
0x6f: {  	[hbm4b:s5+s2] =	stream.indirect_vreg.scatter [tilespmem:s19], [sflag:$0x1], $0x80, v3, vm0, $0xb8;
	[tilespmem:$0x10080] =	vst v63  }
0x70: {  	s19 =	simm.s32 $0xF880  }
0x71: {  	[hbm4b:s6+s2] =	stream.indirect_vreg.scatter [tilespmem:s19], [sflag:$0x1], $0x80, v3, vm0, $0xb8;
	[tilespmem:$0x10080] =	vst v63  }
0x72: {  	_ =	swait.ge [sflag:s18], $0x10000  }
0x73: {  	[sflag:s18] =	ssyncset.done $0x0  }
0x74: {  	s19 =	rddreg [dreg:$0x5];
	[sflag:s18] =	ssyncadd.s32 $0xFFFF0000  }
0x75: {  	[tilespmem:s2], [sflag:$0x2] =	stream.linear.gather [hbm4b:s19+s2], $0x40, $0x38;
	[tilespmem:$0x10080] =	vst v63  }
0x76: {  	_ =	swait.ge [sflag:s8], $0x40  }
0x77: {  	[sflag:s8] =	ssyncset.done $0x0  }
0x78: {  	s19 =	rddreg [dreg:$0x6];
	[sflag:s8] =	ssyncadd.s32 $0xFFFFFFC0  }
0x79: {  	[tilespmem:s0], [sflag:$0x2] =	stream.linear.gather [hbm4b:s19+s2], $0x10000, $0x38;
	[tilespmem:$0x10080] =	vst v63  }
0x7a: {  	_ =	swait.ge [sflag:s8], $0x10000  }
0x7b: {  	[sflag:s8] =	ssyncset.done $0x0  }
0x7c: {  	[sflag:s8] =	ssyncadd.s32 $0xFFFF0000  }
0x7d: {  	v3 =	vld [tilespmem:$0x0];
	_ =	sdelay $0x4  }
0x7e: {  	v60 =	vshll.u32 v3, $0x3  }
0x7f: {  	v3 =	vand.u32 $0x7, v3;
	v4 =	vand.u32 $0xFFFFFFC0, v60  }
0x80: {  	v3 =	vor.u32 v3, v4  }
0x81: {  	v4 =	vperm.xlane v3, v0;
	_ =	sdelay $0x1  }
0x82: {  	v4 =	vadd.s32 v1, v4;
	_ =	sdelay $0x4  }
0x83: {  	[hbm4b:s3+s2] =	stream.indirect_vreg.scatter [tilespmem:s0], [sflag:$0x1], $0x80, v4, vm0, $0xb8;
	[tilespmem:$0x10080] =	vst v63  }
0x84: {  	v3 =	vperm.xlane v3, v2  }
0x85: {  	[hbm4b:s4+s2] =	stream.indirect_vreg.scatter [tilespmem:s20], [sflag:$0x1], $0x80, v4, vm0, $0xb8;
	[tilespmem:$0x10080] =	vst v63  }
0x86: {  	v3 =	vadd.s32 v1, v3  }
0x87: {  	[hbm4b:s5+s2] =	stream.indirect_vreg.scatter [tilespmem:s21], [sflag:$0x1], $0x80, v4, vm0, $0xb8;
	[tilespmem:$0x10080] =	vst v63  }
0x88: {  	_ = 	snop  }
0x89: {  	[hbm4b:s6+s2] =	stream.indirect_vreg.scatter [tilespmem:s22], [sflag:$0x1], $0x80, v4, vm0, $0xb8;
	[tilespmem:$0x10080] =	vst v63  }
0x8a: {  	_ = 	snop  }
0x8b: {  	[hbm4b:s3+s2] =	stream.indirect_vreg.scatter [tilespmem:s23], [sflag:$0x1], $0x80, v3, vm0, $0xb8;
	[tilespmem:$0x10080] =	vst v63  }
0x8c: {  	_ = 	snop  }
0x8d: {  	[hbm4b:s4+s2] =	stream.indirect_vreg.scatter [tilespmem:s24], [sflag:$0x1], $0x80, v3, vm0, $0xb8;
	[tilespmem:$0x10080] =	vst v63  }
0x8e: {  	_ = 	snop  }
0x8f: {  	[hbm4b:s5+s2] =	stream.indirect_vreg.scatter [tilespmem:s25], [sflag:$0x1], $0x80, v3, vm0, $0xb8;
	[tilespmem:$0x10080] =	vst v63  }
0x90: {  	_ = 	snop  }
0x91: {  	[hbm4b:s6+s2] =	stream.indirect_vreg.scatter [tilespmem:s26], [sflag:$0x1], $0x80, v3, vm0, $0xb8;
	[tilespmem:$0x10080] =	vst v63  }
0x92: {  	v3 =	vld [tilespmem:$0x10];
	_ =	sdelay $0x4  }
0x93: {  	v61 =	vshll.u32 v3, $0x3  }
0x94: {  	v3 =	vand.u32 $0x7, v3;
	v4 =	vand.u32 $0xFFFFFFC0, v61  }
0x95: {  	v3 =	vor.u32 v3, v4  }
0x96: {  	v4 =	vperm.xlane v3, v0;
	_ =	sdelay $0x1  }
0x97: {  	v4 =	vadd.s32 v1, v4;
	_ =	sdelay $0x4  }
0x98: {  	[hbm4b:s3+s2] =	stream.indirect_vreg.scatter [tilespmem:s28], [sflag:$0x1], $0x80, v4, vm0, $0xb8;
	[tilespmem:$0x10080] =	vst v63  }
0x99: {  	v3 =	vperm.xlane v3, v2  }
0x9a: {  	[hbm4b:s4+s2] =	stream.indirect_vreg.scatter [tilespmem:s29], [sflag:$0x1], $0x80, v4, vm0, $0xb8;
	[tilespmem:$0x10080] =	vst v63  }
0x9b: {  	v3 =	vadd.s32 v1, v3  }
0x9c: {  	[hbm4b:s5+s2] =	stream.indirect_vreg.scatter [tilespmem:s30], [sflag:$0x1], $0x80, v4, vm0, $0xb8;
	[tilespmem:$0x10080] =	vst v63  }
0x9d: {  	_ = 	snop  }
0x9e: {  	[hbm4b:s6+s2] =	stream.indirect_vreg.scatter [tilespmem:s31], [sflag:$0x1], $0x80, v4, vm0, $0xb8;
	[tilespmem:$0x10080] =	vst v63  }
0x9f: {  	s19 =	simm.s32 $0x6080  }
0xa0: {  	[hbm4b:s3+s2] =	stream.indirect_vreg.scatter [tilespmem:s19], [sflag:$0x1], $0x80, v3, vm0, $0xb8;
	[tilespmem:$0x10080] =	vst v63  }
0xa1: {  	_ = 	snop  }
0xa2: {  	[hbm4b:s4+s2] =	stream.indirect_vreg.scatter [tilespmem:s1], [sflag:$0x1], $0x80, v3, vm0, $0xb8;
	[tilespmem:$0x10080] =	vst v63  }
0xa3: {  	_ = 	snop  }
0xa4: {  	[hbm4b:s5+s2] =	stream.indirect_vreg.scatter [tilespmem:s10], [sflag:$0x1], $0x80, v3, vm0, $0xb8;
	[tilespmem:$0x10080] =	vst v63  }
0xa5: {  	_ = 	snop  }
0xa6: {  	[hbm4b:s6+s2] =	stream.indirect_vreg.scatter [tilespmem:s11], [sflag:$0x1], $0x80, v3, vm0, $0xb8;
	[tilespmem:$0x10080] =	vst v63  }
0xa7: {  	v3 =	vld [tilespmem:$0x20];
	_ =	sdelay $0x4  }
0xa8: {  	v62 =	vshll.u32 v3, $0x3  }
0xa9: {  	v3 =	vand.u32 $0x7, v3;
	v4 =	vand.u32 $0xFFFFFFC0, v62  }
0xaa: {  	v3 =	vor.u32 v3, v4  }
0xab: {  	v4 =	vperm.xlane v3, v0;
	_ =	sdelay $0x1  }
0xac: {  	v4 =	vadd.s32 v1, v4;
	_ =	sdelay $0x4  }
0xad: {  	[hbm4b:s3+s2] =	stream.indirect_vreg.scatter [tilespmem:s12], [sflag:$0x1], $0x80, v4, vm0, $0xb8;
	[tilespmem:$0x10080] =	vst v63  }
0xae: {  	v3 =	vperm.xlane v3, v2  }
0xaf: {  	[hbm4b:s4+s2] =	stream.indirect_vreg.scatter [tilespmem:s13], [sflag:$0x1], $0x80, v4, vm0, $0xb8;
	[tilespmem:$0x10080] =	vst v63  }
0xb0: {  	v3 =	vadd.s32 v1, v3  }
0xb1: {  	[hbm4b:s5+s2] =	stream.indirect_vreg.scatter [tilespmem:s14], [sflag:$0x1], $0x80, v4, vm0, $0xb8;
	[tilespmem:$0x10080] =	vst v63  }
0xb2: {  	_ = 	snop  }
0xb3: {  	[hbm4b:s6+s2] =	stream.indirect_vreg.scatter [tilespmem:s15], [sflag:$0x1], $0x80, v4, vm0, $0xb8;
	[tilespmem:$0x10080] =	vst v63  }
0xb4: {  	_ = 	snop  }
0xb5: {  	[hbm4b:s3+s2] =	stream.indirect_vreg.scatter [tilespmem:s16], [sflag:$0x1], $0x80, v3, vm0, $0xb8;
	[tilespmem:$0x10080] =	vst v63  }
0xb6: {  	_ = 	snop  }
0xb7: {  	[hbm4b:s4+s2] =	stream.indirect_vreg.scatter [tilespmem:s17], [sflag:$0x1], $0x80, v3, vm0, $0xb8;
	[tilespmem:$0x10080] =	vst v63  }
0xb8: {  	_ = 	snop  }
0xb9: {  	[hbm4b:s5+s2] =	stream.indirect_vreg.scatter [tilespmem:s9], [sflag:$0x1], $0x80, v3, vm0, $0xb8;
	[tilespmem:$0x10080] =	vst v63  }
0xba: {  	s19 =	simm.s32 $0xB880  }
0xbb: {  	[hbm4b:s6+s2] =	stream.indirect_vreg.scatter [tilespmem:s19], [sflag:$0x1], $0x80, v3, vm0, $0xb8;
	[tilespmem:$0x10080] =	vst v63  }
0xbc: {  	v3 =	vld [tilespmem:$0x30];
	_ =	sdelay $0x4  }
0xbd: {  	v63 =	vshll.u32 v3, $0x3  }
0xbe: {  	v3 =	vand.u32 $0x7, v3;
	v4 =	vand.u32 $0xFFFFFFC0, v63  }
0xbf: {  	v3 =	vor.u32 v3, v4  }
0xc0: {  	v4 =	vperm.xlane v3, v0;
	_ =	sdelay $0x1  }
0xc1: {  	v4 =	vadd.s32 v1, v4;
	_ =	sdelay $0x3  }
0xc2: {  	s1 =	simm.s32 $0xC080  }
0xc3: {  	[hbm4b:s3+s2] =	stream.indirect_vreg.scatter [tilespmem:s1], [sflag:$0x1], $0x80, v4, vm0, $0xb8;
	[tilespmem:$0x10080] =	vst v63  }
0xc4: {  	s19 =	simm.s32 $0xC880;
	v3 =	vperm.xlane v3, v2  }
0xc5: {  	[hbm4b:s4+s2] =	stream.indirect_vreg.scatter [tilespmem:s19], [sflag:$0x1], $0x80, v4, vm0, $0xb8;
	[tilespmem:$0x10080] =	vst v63  }
0xc6: {  	v3 =	vadd.s32 v1, v3;
	s1 =	simm.s32 $0xD080  }
0xc7: {  	[hbm4b:s5+s2] =	stream.indirect_vreg.scatter [tilespmem:s1], [sflag:$0x1], $0x80, v4, vm0, $0xb8;
	[tilespmem:$0x10080] =	vst v63  }
0xc8: {  	s19 =	simm.s32 $0xD880  }
0xc9: {  	[hbm4b:s6+s2] =	stream.indirect_vreg.scatter [tilespmem:s19], [sflag:$0x1], $0x80, v4, vm0, $0xb8;
	[tilespmem:$0x10080] =	vst v63  }
0xca: {  	s1 =	simm.s32 $0xE080  }
0xcb: {  	[hbm4b:s3+s2] =	stream.indirect_vreg.scatter [tilespmem:s1], [sflag:$0x1], $0x80, v3, vm0, $0xb8;
	[tilespmem:$0x10080] =	vst v63  }
0xcc: {  	s19 =	simm.s32 $0xE880  }
0xcd: {  	[hbm4b:s4+s2] =	stream.indirect_vreg.scatter [tilespmem:s19], [sflag:$0x1], $0x80, v3, vm0, $0xb8;
	[tilespmem:$0x10080] =	vst v63  }
0xce: {  	p0 =	sne.s32 s7, $0x1;
	s1 =	simm.s32 $0xF080  }
0xcf: {  	[hbm4b:s5+s2] =	stream.indirect_vreg.scatter [tilespmem:s1], [sflag:$0x1], $0x80, v3, vm0, $0xb8;
	[tilespmem:$0x10080] =	vst v63  }
.Ltmp0:
0xd0: {  	s19 =	simm.s32 $0xF880;
	(pc) =	sbr.rel @p0 .LBB2_1-.Ltmp0, $4  }
0xd1: {  	[hbm4b:s6+s2] =	stream.indirect_vreg.scatter [tilespmem:s19], [sflag:$0x1], $0x80, v3, vm0, $0xb8;
	[tilespmem:$0x10080] =	vst v63  }
0xd2: {  	_ =	swait.ge [sflag:s18], $0x10000  }
0xd3: {  	[sflag:s18] =	ssyncset.done $0x0  }
0xd4: {  	s7 =	sadd.s32 $0xFFFFFFFF, s7;
	[sflag:s18] =	ssyncadd.s32 $0xFFFF0000  }
0xd5: {  	_ =	sfence.sel $0x180000  }
0xd6: {  	[bflag:$0x0] =	sbarrier.arrive $0xFFFF  }
0xd7: {  	_ =	strace $0x90000047  }
0xd8: {  	s0 =	stileid.u32;
	[bflag:$0x2] =	sbarrier.arrive $0xFFFF  }
0xd9: {  	p0 =	sne.s32 s0, $0x0;
	s0 =	rddreg [dreg:$0x2]  }
0xda: {  	s0 =	sadd.s32 @!p0 $0x100000, s0  }
0xdb: {  	[sflag:s0] =	ssyncadd.tile.s32 @!p0 $0x1;
	_ =	shalt  }
.Lfunc_end2:
_tile_overlayer_lowered:
.L_overlay_start_2:
0xdc: {  	(tag) =	ssettag $0x2  }
0xdd: {  	s0 =	rddreg [dreg:$0x0];
	s2 =	stileid.u32  }
0xde: {  	s1 =	rddreg [dreg:$0x1];
	p0 =	sne.s32 s2, $0x0  }
0xdf: {  	s3 =	rddreg [dreg:$0x2];
	[bflag:$0x3] =	sbarrier.arrive $0xFFFF;
	s2 =	simm.s32 @!p0 $0x1C02  }
0xe0: {  	[timem:s3], [sflag:s2] =	dma.local @!p0 [hbm:s0], s1  }
0xe1: {  	s0 =	simm.s32 @!p0 $0x2  }
0xe2: {  	_ =	swait.ge @!p0 [sflag:s0], s1  }
0xe3: {  	s1 =	ssub.s32 @!p0 $0x0, s1;
	[sflag:s0] =	ssyncset.done @!p0 $0x0  }
0xe4: {  	[sflag:s0] =	ssyncadd.s32 @!p0 s1  }
0xe5: {  	[bflag:$0x3] =	sbarrier.arrive $0xFFFF  }
0xe6: {  	_ =	shalt  }

</sc_bundles>
